<compile_context>
chip_gen: v7x
topology: tpu7x:2x2x1
jax: 0.10.2.dev20260603
libtpu: 0.0.44.dev20260713+nightly
codegen_flags: <defaults>
</compile_context>

<pallas_src>
import jax
import jax.numpy as jnp
from jax import lax
from jax.experimental import pallas as pl
from jax.experimental.pallas import tpu as pltpu
from jax.experimental.pallas import tpu_sc as plsc

H = 4
HID = 64
F = H * HID
N = 10000
E = 100000
EP = 102400
NOUT = 10240
NC, NS, L = 2, 16, 16
RA = 1024

_MESH = plsc.VectorSubcoreMesh(
    core_axis_name="c", subcore_axis_name="s", num_cores=NC, num_subcores=NS)


GBLK = 64
GB = 2 * EP // GBLK // (NC * NS)
GNB = 5


def _sc_gather_body(table_h, idx_h, out_h, idx_v, rows_v, *sems):
    c = lax.axis_index("c")
    s = lax.axis_index("s")
    wid = s * NC + c
    base = wid * GB
    gsem = sems[:GNB]
    ssem = sems[GNB:]
    pltpu.sync_copy(idx_h.at[wid], idx_v)

    def gather(j, b):
        pltpu.async_copy(table_h.at[idx_v.at[j]], rows_v.at[b], gsem[b])

    def wait_gather(b):
        pltpu.make_async_copy(
            table_h.at[idx_v.at[0]], rows_v.at[b], gsem[b]).wait()

    def store(j, b):
        pltpu.async_copy(
            rows_v.at[b], out_h.at[pl.ds((base + j) * GBLK, GBLK)], ssem[b])

    def wait_store(b):
        pltpu.make_async_copy(
            rows_v.at[b], out_h.at[pl.ds(base * GBLK, GBLK)], ssem[b]).wait()

    for b in range(GNB):
        gather(b, b)
    GK = GB // GNB

    def body(g, carry):
        j0 = g * GNB
        for b in range(GNB):
            wait_gather(b)
            store(j0 + b, b)
            wait_store(b)

            @pl.when(g < GK - 1)
            def _():
                gather(j0 + b + GNB, b)
        return carry

    lax.fori_loop(0, GK, body, 0)


@jax.jit
def _sc_gather(table, idx3d):
    return pl.kernel(
        _sc_gather_body,
        out_type=jax.ShapeDtypeStruct((2 * EP, F), jnp.float32),
        mesh=_MESH,
        scratch_types=[
            pltpu.VMEM((GB, GBLK), jnp.int32),
            pltpu.VMEM((GNB, GBLK, F), jnp.float32),
        ] + [pltpu.SemaphoreType.DMA] * (2 * GNB),
    )(table, idx3d)


FS = 128


def _alpha_body(xj_ref, xi_ref, att_ref, wxj_ref, w_ref):
    xj = xj_ref[...]
    xi = xi_ref[...]
    z = xi + xj
    e = jnp.where(z >= 0, z, 0.2 * z) * att_ref[...]
    ws = [jnp.exp(jnp.sum(e[:, h * HID:(h + 1) * HID], axis=1, keepdims=True))
          for h in range(H)]
    wxj_ref[0] = jnp.concatenate(
        [xj[:, 0:HID] * ws[0], xj[:, HID:2 * HID] * ws[1]], 1)
    wxj_ref[1] = jnp.concatenate(
        [xj[:, 2 * HID:3 * HID] * ws[2], xj[:, 3 * HID:4 * HID] * ws[3]], 1)
    wcat = jnp.concatenate(ws + [jnp.zeros((RA, 128 - H), jnp.float32)], 1)
    w_ref[0] = wcat
    w_ref[1] = wcat


@jax.jit
def _alpha(xjxi, att):
    nb = EP // RA
    return pl.pallas_call(
        _alpha_body,
        grid=(nb,),
        in_specs=[pl.BlockSpec((RA, F), lambda i: (i, 0)),
                  pl.BlockSpec((RA, F), lambda i, _nb=nb: (i + _nb, 0)),
                  pl.BlockSpec((1, F), lambda i: (0, 0))],
        out_specs=[pl.BlockSpec((2, RA, FS), lambda i: (0, i, 0)),
                   pl.BlockSpec((2, RA, FS), lambda i: (0, i, 0))],
        out_shape=[jax.ShapeDtypeStruct((2, EP, FS), jnp.float32),
                   jax.ShapeDtypeStruct((2, EP, FS), jnp.float32)],
    )(xjxi, xjxi, att)




def _scatter_body(ep, rows_h, idx_h, z_h, num_h, idx_v, rows_v, accum, sems):
    SB = ep // 128 // NS
    c = lax.axis_index("c")
    s = lax.axis_index("s")
    rpt = NOUT // NS
    r0 = s * rpt
    lsem = sems[:2]
    csem = sems[2:]
    pltpu.sync_copy(z_h.at[pl.ds(r0, rpt)], accum.at[pl.ds(r0, rpt)])
    pltpu.sync_copy(idx_h.at[s], idx_v)
    plsc.subcore_barrier()

    def load(j, b):
        pltpu.async_copy(
            rows_h.at[c, pl.ds((s * SB + j) * 128, 128)], rows_v.at[b], lsem[b])

    def wait_load(b):
        pltpu.make_async_copy(
            rows_h.at[c, pl.ds(0, 128)], rows_v.at[b], lsem[b]).wait()

    def scat(j, b):
        pltpu.async_copy(rows_v.at[b], accum.at[idx_v.at[j]], csem[b], add=True)

    def wait_scat(b):
        pltpu.make_async_copy(
            rows_v.at[b], accum.at[idx_v.at[0]], csem[b]).wait()

    load(0, 0)
    KMAX = SB // 2

    def body(k, carry):
        j0 = 2 * k
        wait_load(0)

        @pl.when(k >= 1)
        def _():
            wait_scat(1)

        load(j0 + 1, 1)
        scat(j0, 0)
        wait_load(1)

        @pl.when(k < KMAX - 1)
        def _():
            wait_scat(0)
            load(j0 + 2, 0)

        scat(j0 + 1, 1)
        return carry

    lax.fori_loop(0, KMAX, body, 0)
    wait_scat(0)
    wait_scat(1)
    plsc.subcore_barrier()
    pltpu.sync_copy(accum.at[pl.ds(r0, rpt)], num_h.at[c, pl.ds(r0, rpt)])


def _make_scatter(ep):
    def body(rows_h, idx_h, z_h, num_h, idx_v, rows_v, accum, *sems):
        _scatter_body(ep, rows_h, idx_h, z_h, num_h, idx_v, rows_v, accum, sems)

    @jax.jit
    def run(rows2, idx4d):
        z = jnp.zeros((NOUT, FS), jnp.float32)
        return pl.kernel(
            body,
            out_type=jax.ShapeDtypeStruct((2, NOUT, FS), jnp.float32),
            mesh=_MESH,
            scratch_types=[
                pltpu.VMEM((ep // 128 // NS, 128), jnp.int32),
                pltpu.VMEM((2, 128, FS), jnp.float32),
                pltpu.VMEM_SHARED((NOUT, FS), jnp.float32),
            ] + [pltpu.SemaphoreType.DMA] * 4,
        )(rows2, idx4d, z)

    return run


_sc_scatter = _make_scatter(EP)


RM = 400


def _mm_body(x_ref, w_ref, b_ref, o_ref):
    o_ref[...] = jnp.dot(x_ref[...], w_ref[...],
                         preferred_element_type=jnp.float32) + b_ref[...]


def _mm(x, W, b):
    n, k = x.shape
    m = W.shape[1]
    return pl.pallas_call(
        _mm_body,
        grid=(n // RM,),
        in_specs=[pl.BlockSpec((RM, k), lambda i: (i, 0)),
                  pl.BlockSpec((k, m), lambda i: (0, 0)),
                  pl.BlockSpec((1, m), lambda i: (0, 0))],
        out_specs=pl.BlockSpec((RM, m), lambda i: (i, 0)),
        out_shape=jax.ShapeDtypeStruct((n, m), jnp.float32),
    )(x, W, b.reshape(1, m))


def _layer_norm(x, g, b):
    m = jnp.mean(x, -1, keepdims=True)
    v = jnp.mean((x - m) ** 2, -1, keepdims=True)
    return (x - m) / jnp.sqrt(v + 1e-5) * g + b


def _cat_idx(srcv, dstv):
    a = jnp.concatenate([srcv.astype(jnp.int32),
                         jnp.zeros((EP - E,), jnp.int32),
                         dstv.astype(jnp.int32) + N,
                         jnp.full((EP - E,), N, jnp.int32)])
    return a.reshape(NC * NS, GB, GBLK)


def _sct_idx(a):
    a = jnp.concatenate([a.astype(jnp.int32),
                         jnp.full((EP - E,), N, jnp.int32)])
    return a.reshape(NS, EP // 128 // NS, 128)


def _gatv2_scgather(xl, xr, cat3d, nidx, att, bias, concat):
    table = jnp.concatenate([xl, xr], 0)
    xjxi = _sc_gather(table, cat3d)
    wxj, w2 = _alpha(xjxi, att.reshape(1, F))
    num = _sc_scatter(wxj, nidx)
    den = _sc_scatter(w2, nidx)
    numf = jnp.concatenate(
        [num[0, :N], num[1, :N]], -1).reshape(N, H, HID)
    d = den[0, :N, :H][:, :, None]
    out = jnp.where(d > 0, numf / jnp.where(d > 0, d, 1.0), 0.0)
    if concat:
        out = out.reshape(N, F)
    else:
        out = jnp.mean(out, 1)
    return out + bias


def kernel(x_ap, x_user, x_target, ei_serves, ei_senses, params):
    P = params
    src_s, dst_s = ei_serves[0], ei_serves[1]
    src_n, dst_n = ei_senses[0], ei_senses[1]

    c_serves = _cat_idx(src_s, dst_s)
    c_senses = _cat_idx(src_n, dst_n)
    c_rserves = _cat_idx(dst_s, src_s)
    c_rsenses = _cat_idx(dst_n, src_n)
    n_dst_s = _sct_idx(dst_s)
    n_src_s = _sct_idx(src_s)
    n_dst_n = _sct_idx(dst_n)
    n_src_n = _sct_idx(src_n)

    xd = {'ap': _mm(x_ap, P['proj_ap_W'], P['proj_ap_b']),
          'user': _mm(x_user[:N], P['proj_user_W'], P['proj_user_b']),
          'target': _mm(x_target, P['proj_target_W'], P['proj_target_b'])}
    edges = [('serves', 'ap', 'user', c_serves, n_dst_s),
             ('senses', 'ap', 'target', c_senses, n_dst_n),
             ('rev_serves', 'user', 'ap', c_rserves, n_src_s),
             ('rev_senses', 'target', 'ap', c_rsenses, n_src_n)]
    for layer, concat in [('c1', True), ('c2', False)]:
        lp = layer + '_'
        ap_W = jnp.concatenate(
            [P[lp + 'serves_Wl'], P[lp + 'senses_Wl'],
             P[lp + 'rev_serves_Wr'], P[lp + 'rev_senses_Wr']], 1)
        ap_b = jnp.concatenate(
            [P[lp + 'serves_bl'], P[lp + 'senses_bl'],
             P[lp + 'rev_serves_br'], P[lp + 'rev_senses_br']])
        us_W = jnp.concatenate(
            [P[lp + 'serves_Wr'], P[lp + 'rev_serves_Wl']], 1)
        us_b = jnp.concatenate([P[lp + 'serves_br'], P[lp + 'rev_serves_bl']])
        tg_W = jnp.concatenate(
            [P[lp + 'senses_Wr'], P[lp + 'rev_senses_Wl']], 1)
        tg_b = jnp.concatenate([P[lp + 'senses_br'], P[lp + 'rev_senses_bl']])
        ap_t = _mm(xd['ap'], ap_W, ap_b)
        us_t = _mm(xd['user'], us_W, us_b)
        tg_t = _mm(xd['target'], tg_W, tg_b)
        tabs = {'serves': (ap_t[:, 0:F], us_t[:, 0:F]),
                'senses': (ap_t[:, F:2 * F], tg_t[:, 0:F]),
                'rev_serves': (us_t[:, F:2 * F], ap_t[:, 2 * F:3 * F]),
                'rev_senses': (tg_t[:, F:2 * F], ap_t[:, 3 * F:4 * F])}
        outs = {}
        for et, st, dt, cg, nidx in edges:
            xl, xr = tabs[et]
            o = _gatv2_scgather(xl, xr, cg, nidx,
                                P[lp + et + '_att'], P[lp + et + '_bias'],
                                concat)
            outs[dt] = outs.get(dt, 0.0) + o
        ln = 'ln1' if layer == 'c1' else 'ln2'
        xd = {t: jax.nn.leaky_relu(
            _layer_norm(outs[t], P[ln + '_' + t + '_g'], P[ln + '_' + t + '_b']), 0.01)
            for t in outs}

    zc = jnp.zeros((HID, F - 4), jnp.float32)
    z1 = jnp.zeros((F - 4,), jnp.float32)
    ap_hW = jnp.concatenate(
        [P['tau_W'], P['x_W'][:HID], P['ytx_W'][:HID], P['yrx_W'][:HID], zc], 1)
    ap_hb = jnp.concatenate([P['tau_b'], P['x_b'], P['ytx_b'], P['yrx_b'], z1])
    us_hW = jnp.concatenate(
        [P['x_W'][HID:], jnp.zeros((HID, F - 1), jnp.float32)], 1)
    us_hb = jnp.zeros((F,), jnp.float32)
    tg_hW = jnp.concatenate(
        [P['s_W'], P['ytx_W'][HID:], P['yrx_W'][HID:],
         jnp.zeros((HID, F - 3), jnp.float32)], 1)
    tg_hb = jnp.concatenate([P['s_b'], jnp.zeros((F - 1,), jnp.float32)])
    hm_ap = _mm(xd['ap'], ap_hW, ap_hb)
    hm_us = _mm(xd['user'], us_hW, us_hb)
    hm_tg = _mm(xd['target'], tg_hW, tg_hb)
    tau = hm_ap[:, 0]
    s_out = hm_tg[:, 0]
    gs = _sc_gather(jnp.concatenate([hm_ap, hm_us], 0), c_serves)
    gn = _sc_gather(jnp.concatenate([hm_ap, hm_tg], 0), c_senses)
    x_log = gs[:E, 1] + gs[EP:EP + E, 0]
    ytx = gn[:E, 2] + gn[EP:EP + E, 1]
    yrx = gn[:E, 3] + gn[EP:EP + E, 2]
    return (tau, s_out, x_log, ytx, yrx)

# --- scband reference (transcript-rebuilt; emitter-appended) ---
"""Pipeline reference for scband-assent-74406013436050 (READ-ONLY COPY).

The authoritative reference and input builder live on the scoring server;
editing this copy changes nothing except your own understanding.
"""

import jax, jax.numpy as jnp
import numpy as np

N_AP, N_USER, N_TGT = 10000, 50000, 10000
E_SERVES, E_SENSES = 100000, 100000
D_AP, D_USER, D_TGT = 32, 16, 16
H = 4
HID = 64


def _glorot(rng, shape):
    fan_in, fan_out = shape[0], shape[-1]
    s = np.sqrt(6.0 / (fan_in + fan_out))
    return jnp.asarray(rng.uniform(-s, s, shape), jnp.float32)


def _make_params():
    rng = np.random.default_rng(0)
    P = {}
    for t, d in [('ap', D_AP), ('user', D_USER), ('target', D_TGT)]:
        P['proj_' + t + '_W'] = _glorot(rng, (d, HID))
        P['proj_' + t + '_b'] = jnp.zeros((HID,), jnp.float32)
    for et in ['serves', 'senses', 'rev_serves', 'rev_senses']:
        P['c1_' + et + '_Wl'] = _glorot(rng, (HID, H * HID))
        P['c1_' + et + '_bl'] = jnp.zeros((H * HID,), jnp.float32)
        P['c1_' + et + '_Wr'] = _glorot(rng, (HID, H * HID))
        P['c1_' + et + '_br'] = jnp.zeros((H * HID,), jnp.float32)
        P['c1_' + et + '_att'] = _glorot(rng, (H, HID))
        P['c1_' + et + '_bias'] = jnp.zeros((H * HID,), jnp.float32)
        P['c2_' + et + '_Wl'] = _glorot(rng, (H * HID, H * HID))
        P['c2_' + et + '_bl'] = jnp.zeros((H * HID,), jnp.float32)
        P['c2_' + et + '_Wr'] = _glorot(rng, (H * HID, H * HID))
        P['c2_' + et + '_br'] = jnp.zeros((H * HID,), jnp.float32)
        P['c2_' + et + '_att'] = _glorot(rng, (H, HID))
        P['c2_' + et + '_bias'] = jnp.zeros((HID,), jnp.float32)
    for t in ['ap', 'user', 'target']:
        P['ln1_' + t + '_g'] = jnp.ones((H * HID,), jnp.float32)
        P['ln1_' + t + '_b'] = jnp.zeros((H * HID,), jnp.float32)
        P['ln2_' + t + '_g'] = jnp.ones((HID,), jnp.float32)
        P['ln2_' + t + '_b'] = jnp.zeros((HID,), jnp.float32)
    P['tau_W'] = _glorot(rng, (HID, 1)); P['tau_b'] = jnp.zeros((1,), jnp.float32)
    P['s_W'] = _glorot(rng, (HID, 1)); P['s_b'] = jnp.zeros((1,), jnp.float32)
    P['x_W'] = _glorot(rng, (2 * HID, 1)); P['x_b'] = jnp.zeros((1,), jnp.float32)
    P['ytx_W'] = _glorot(rng, (2 * HID, 1)); P['ytx_b'] = jnp.zeros((1,), jnp.float32)
    P['yrx_W'] = _glorot(rng, (2 * HID, 1)); P['yrx_b'] = jnp.zeros((1,), jnp.float32)
    return P


def _layer_norm(x, g, b):
    m = jnp.mean(x, -1, keepdims=True)
    v = jnp.mean((x - m) ** 2, -1, keepdims=True)
    return (x - m) / jnp.sqrt(v + 1e-5) * g + b


def _gatv2(x_src, x_dst, ei, Wl, bl, Wr, br, att, bias, concat):
    n_dst = x_dst.shape[0]
    xl = (x_src @ Wl + bl).reshape(-1, H, HID)
    xr = (x_dst @ Wr + br).reshape(-1, H, HID)
    src, dst = ei[0], ei[1]
    xj = xl[src]
    xi = xr[dst]
    e = jax.nn.leaky_relu(xi + xj, 0.2)
    alpha = jnp.sum(e * att[None, :, :], -1)
    amax = jax.ops.segment_max(alpha, dst, num_segments=n_dst)
    amax = jnp.where(jnp.isfinite(amax), amax, 0.0)
    alpha = jnp.exp(alpha - amax[dst])
    denom = jax.ops.segment_sum(alpha, dst, num_segments=n_dst)
    alpha = alpha / (denom[dst] + 1e-16)
    out = jax.ops.segment_sum(xj * alpha[:, :, None], dst, num_segments=n_dst)
    if concat:
        out = out.reshape(n_dst, H * HID)
    else:
        out = jnp.mean(out, 1)
    return out + bias


def _forward(x_ap, x_user, x_target, params, ei_serves, ei_senses):
    P = params
    ei_rs = ei_serves[::-1]
    ei_rn = ei_senses[::-1]
    xd = {'ap': x_ap @ P['proj_ap_W'] + P['proj_ap_b'],
          'user': x_user @ P['proj_user_W'] + P['proj_user_b'],
          'target': x_target @ P['proj_target_W'] + P['proj_target_b']}
    edges = [('serves', 'ap', 'user', ei_serves),
             ('senses', 'ap', 'target', ei_senses),
             ('rev_serves', 'user', 'ap', ei_rs),
             ('rev_senses', 'target', 'ap', ei_rn)]
    for layer, concat in [('c1', True), ('c2', False)]:
        outs = {}
        for et, st, dt, ei in edges:
            p = layer + '_' + et
            o = _gatv2(xd[st], xd[dt], ei, P[p + '_Wl'], P[p + '_bl'], P[p + '_Wr'], P[p + '_br'], P[p + '_att'], P[p + '_bias'], concat)
            outs[dt] = outs.get(dt, 0.0) + o
        ln = 'ln1' if layer == 'c1' else 'ln2'
        xd = {t: jax.nn.leaky_relu(_layer_norm(outs[t], P[ln + '_' + t + '_g'], P[ln + '_' + t + '_b']), 0.01) for t in outs}
    tau = jnp.squeeze(xd['ap'] @ P['tau_W'] + P['tau_b'], -1)
    s = jnp.squeeze(xd['target'] @ P['s_W'] + P['s_b'], -1)
    ap_e = xd['ap'][ei_serves[0]]
    user_e = xd['user'][ei_serves[1]]
    x_log = jnp.squeeze(jnp.concatenate([ap_e, user_e], -1) @ P['x_W'] + P['x_b'], -1)
    ap_s = xd['ap'][ei_senses[0]]
    tgt_e = xd['target'][ei_senses[1]]
    cat_s = jnp.concatenate([ap_s, tgt_e], -1)
    ytx = jnp.squeeze(cat_s @ P['ytx_W'] + P['ytx_b'], -1)
    yrx = jnp.squeeze(cat_s @ P['yrx_W'] + P['yrx_b'], -1)
    return (tau, s, x_log, ytx, yrx)


def setup_inputs(seed: int = 0):
    key = jax.random.key(seed)
    ks = jax.random.split(key, 5)
    return {'x_ap': jax.random.normal(ks[0], (N_AP, D_AP), jnp.float32),
            'x_user': jax.random.normal(ks[1], (N_USER, D_USER), jnp.float32),
            'x_target': jax.random.normal(ks[2], (N_TGT, D_TGT), jnp.float32),
            'ei_serves': jax.random.randint(ks[3], (2, E_SERVES), 0, N_AP),
            'ei_senses': jax.random.randint(ks[4], (2, E_SENSES), 0, N_AP),
            'params': _make_params()}


def reference(x_ap, x_user, x_target, ei_serves, ei_senses, params):
    return _forward(x_ap, x_user, x_target, params, ei_serves, ei_senses)

if __name__ == "__main__":
    import jax
    _d = setup_inputs()
    print(jax.jit(kernel)(*tuple(_d.values())))

</pallas_src>

<mosaic_0001>
#map = affine_map<(d0, d1) -> (0, 0)>
#map1 = affine_map<(d0, d1) -> (0, 0, 0)>
module attributes {stable_mosaic.version = 14 : i64} {
  func.func @_sc_gather_body(%arg0: i32, %arg1: i32, %arg2: memref<20000x256xf32, #tpu.memory_space<hbm>>, %arg3: memref<32x100x64xi32, #tpu.memory_space<hbm>>, %arg4: memref<204800x256xf32, #tpu.memory_space<hbm>>, %arg5: memref<100x64xi32, #tpu.memory_space<vmem>>, %arg6: memref<5x64x256xf32, #tpu.memory_space<vmem>>, %arg7: memref<!tpu.dma_semaphore, #tpu.memory_space<semaphore_mem>>, %arg8: memref<!tpu.dma_semaphore, #tpu.memory_space<semaphore_mem>>, %arg9: memref<!tpu.dma_semaphore, #tpu.memory_space<semaphore_mem>>, %arg10: memref<!tpu.dma_semaphore, #tpu.memory_space<semaphore_mem>>, %arg11: memref<!tpu.dma_semaphore, #tpu.memory_space<semaphore_mem>>, %arg12: memref<!tpu.dma_semaphore, #tpu.memory_space<semaphore_mem>>, %arg13: memref<!tpu.dma_semaphore, #tpu.memory_space<semaphore_mem>>, %arg14: memref<!tpu.dma_semaphore, #tpu.memory_space<semaphore_mem>>, %arg15: memref<!tpu.dma_semaphore, #tpu.memory_space<semaphore_mem>>, %arg16: memref<!tpu.dma_semaphore, #tpu.memory_space<semaphore_mem>>) attributes {dimension_semantics = [#tpu.dimension_semantics<core_parallel>, #tpu.dimension_semantics<subcore_parallel>], iteration_bounds = array<i64: 2, 16>, scalar_prefetch = 0 : i64, scratch_operands = 12 : i64, tpu.core_type = #tpu.core_type<sc_vector_subcore>, window_params = [{transform_indices = #map}, {transform_indices = #map1}, {transform_indices = #map}]} {
    %mul3A = arith.constant 2 : i32
    %mul3A_0 = arith.muli %arg1, %mul3A : i32
    %add3A = arith.addi %mul3A_0, %arg0 : i32
    %mul3A_1 = arith.constant 100 : i32
    %mul3A_2 = arith.muli %add3A, %mul3A_1 : i32
    "tpu.region"() ({
      %run_scoped3A = tpu.sem_alloc : memref<!tpu.dma_semaphore, #tpu.memory_space<semaphore_mem>>
      %dma_start3A_67 = arith.constant 0 : i32
      %dma_start3A_68 = arith.constant 0 : i32
      %dma_start3A_69 = tpu.memref_slice %arg3[%add3A, %dma_start3A_67, %dma_start3A_68] : memref<32x100x64xi32, #tpu.memory_space<hbm>> -> memref<1x100x64xi32, #tpu.memory_space<hbm>>
      %dma_start3A_70 = tpu.memref_squeeze %dma_start3A_69 : memref<1x100x64xi32, #tpu.memory_space<hbm>> -> memref<100x64xi32, #tpu.memory_space<hbm>>
      %dma_start3A_71 = arith.constant 0 : i32
      %dma_start3A_72 = arith.constant 0 : i32
      %dma_start3A_73 = tpu.memref_slice %arg3[%add3A, %dma_start3A_71, %dma_start3A_72] : memref<32x100x64xi32, #tpu.memory_space<hbm>> -> memref<1x100x64xi32, #tpu.memory_space<hbm>>
      %dma_start3A_74 = tpu.memref_squeeze %dma_start3A_73 : memref<1x100x64xi32, #tpu.memory_space<hbm>> -> memref<100x64xi32, #tpu.memory_space<hbm>>
      tpu.enqueue_dma source(%dma_start3A_74 : memref<100x64xi32, #tpu.memory_space<hbm>>) target(%arg5 : memref<100x64xi32, #tpu.memory_space<vmem>>) target_semaphore(%run_scoped3A : memref<!tpu.dma_semaphore, #tpu.memory_space<semaphore_mem>>)
      %dma_wait3A = arith.constant 0 : i32
      %dma_wait3A_75 = arith.constant 0 : i32
      %dma_wait3A_76 = tpu.memref_slice %arg3[%add3A, %dma_wait3A, %dma_wait3A_75] : memref<32x100x64xi32, #tpu.memory_space<hbm>> -> memref<1x100x64xi32, #tpu.memory_space<hbm>>
      %dma_wait3A_77 = tpu.memref_squeeze %dma_wait3A_76 : memref<1x100x64xi32, #tpu.memory_space<hbm>> -> memref<100x64xi32, #tpu.memory_space<hbm>>
      %dma_wait3A_78 = arith.constant 0 : i32
      %dma_wait3A_79 = arith.constant 0 : i32
      %dma_wait3A_80 = tpu.memref_slice %arg3[%add3A, %dma_wait3A_78, %dma_wait3A_79] : memref<32x100x64xi32, #tpu.memory_space<hbm>> -> memref<1x100x64xi32, #tpu.memory_space<hbm>>
      %dma_wait3A_81 = tpu.memref_squeeze %dma_wait3A_80 : memref<1x100x64xi32, #tpu.memory_space<hbm>> -> memref<100x64xi32, #tpu.memory_space<hbm>>
      tpu.wait_dma2 semaphore(%run_scoped3A : memref<!tpu.dma_semaphore, #tpu.memory_space<semaphore_mem>>) src(%dma_wait3A_81 : memref<100x64xi32, #tpu.memory_space<hbm>>) dst(%arg5 : memref<100x64xi32, #tpu.memory_space<vmem>>)
      tpu.yield
    }) : () -> ()
    %dma_start3A = arith.constant 0 : i32
    %dma_start3A_3 = arith.constant 0 : i32
    %dma_start3A_4 = arith.constant 0 : i32
    %dma_start3A_5 = arith.constant 0 : i32
    %dma_start3A_6 = tpu.memref_slice %arg6[%dma_start3A_3, %dma_start3A_4, %dma_start3A_5] : memref<5x64x256xf32, #tpu.memory_space<vmem>> -> memref<1x64x256xf32, #tpu.memory_space<vmem>>
    %dma_start3A_7 = tpu.memref_squeeze %dma_start3A_6 : memref<1x64x256xf32, #tpu.memory_space<vmem>> -> memref<64x256xf32, #tpu.memory_space<vmem>>
    %dma_start3A_8 = arith.constant 0 : i32
    %dma_start3A_9 = tpu.memref_slice %arg5[%dma_start3A, %dma_start3A_8] : memref<100x64xi32, #tpu.memory_space<vmem>> -> memref<1x64xi32, #tpu.memory_space<vmem>>
    %dma_start3A_10 = tpu.memref_squeeze %dma_start3A_9 : memref<1x64xi32, #tpu.memory_space<vmem>> -> memref<64xi32, #tpu.memory_space<vmem>>
    %dma_start3A_11 = arith.constant 0 : i32
    %dma_start3A_12 = arith.constant 0 : i32
    %dma_start3A_13 = tpu.memref_slice %arg2[%dma_start3A_11, %dma_start3A_12] : memref<20000x256xf32, #tpu.memory_space<hbm>> -> memref<20000x256xf32, #tpu.memory_space<hbm>>
    tpu.enqueue_indirect_dma source(%dma_start3A_13 : memref<20000x256xf32, #tpu.memory_space<hbm>>) target(%dma_start3A_7 : memref<64x256xf32, #tpu.memory_space<vmem>>) offsets(%dma_start3A_10 : memref<64xi32, #tpu.memory_space<vmem>>) semaphore(%arg7 : memref<!tpu.dma_semaphore, #tpu.memory_space<semaphore_mem>>)
    %dma_start3A_14 = arith.constant 1 : i32
    %dma_start3A_15 = arith.constant 1 : i32
    %dma_start3A_16 = arith.constant 0 : i32
    %dma_start3A_17 = arith.constant 0 : i32
    %dma_start3A_18 = tpu.memref_slice %arg6[%dma_start3A_15, %dma_start3A_16, %dma_start3A_17] : memref<5x64x256xf32, #tpu.memory_space<vmem>> -> memref<1x64x256xf32, #tpu.memory_space<vmem>>
    %dma_start3A_19 = tpu.memref_squeeze %dma_start3A_18 : memref<1x64x256xf32, #tpu.memory_space<vmem>> -> memref<64x256xf32, #tpu.memory_space<vmem>>
    %dma_start3A_20 = arith.constant 0 : i32
    %dma_start3A_21 = tpu.memref_slice %arg5[%dma_start3A_14, %dma_start3A_20] : memref<100x64xi32, #tpu.memory_space<vmem>> -> memref<1x64xi32, #tpu.memory_space<vmem>>
    %dma_start3A_22 = tpu.memref_squeeze %dma_start3A_21 : memref<1x64xi32, #tpu.memory_space<vmem>> -> memref<64xi32, #tpu.memory_space<vmem>>
    %dma_start3A_23 = arith.constant 0 : i32
    %dma_start3A_24 = arith.constant 0 : i32
    %dma_start3A_25 = tpu.memref_slice %arg2[%dma_start3A_23, %dma_start3A_24] : memref<20000x256xf32, #tpu.memory_space<hbm>> -> memref<20000x256xf32, #tpu.memory_space<hbm>>
    tpu.enqueue_indirect_dma source(%dma_start3A_25 : memref<20000x256xf32, #tpu.memory_space<hbm>>) target(%dma_start3A_19 : memref<64x256xf32, #tpu.memory_space<vmem>>) offsets(%dma_start3A_22 : memref<64xi32, #tpu.memory_space<vmem>>) semaphore(%arg8 : memref<!tpu.dma_semaphore, #tpu.memory_space<semaphore_mem>>)
    %dma_start3A_26 = arith.constant 2 : i32
    %dma_start3A_27 = arith.constant 2 : i32
    %dma_start3A_28 = arith.constant 0 : i32
    %dma_start3A_29 = arith.constant 0 : i32
    %dma_start3A_30 = tpu.memref_slice %arg6[%dma_start3A_27, %dma_start3A_28, %dma_start3A_29] : memref<5x64x256xf32, #tpu.memory_space<vmem>> -> memref<1x64x256xf32, #tpu.memory_space<vmem>>
    %dma_start3A_31 = tpu.memref_squeeze %dma_start3A_30 : memref<1x64x256xf32, #tpu.memory_space<vmem>> -> memref<64x256xf32, #tpu.memory_space<vmem>>
    %dma_start3A_32 = arith.constant 0 : i32
    %dma_start3A_33 = tpu.memref_slice %arg5[%dma_start3A_26, %dma_start3A_32] : memref<100x64xi32, #tpu.memory_space<vmem>> -> memref<1x64xi32, #tpu.memory_space<vmem>>
    %dma_start3A_34 = tpu.memref_squeeze %dma_start3A_33 : memref<1x64xi32, #tpu.memory_space<vmem>> -> memref<64xi32, #tpu.memory_space<vmem>>
    %dma_start3A_35 = arith.constant 0 : i32
    %dma_start3A_36 = arith.constant 0 : i32
    %dma_start3A_37 = tpu.memref_slice %arg2[%dma_start3A_35, %dma_start3A_36] : memref<20000x256xf32, #tpu.memory_space<hbm>> -> memref<20000x256xf32, #tpu.memory_space<hbm>>
    tpu.enqueue_indirect_dma source(%dma_start3A_37 : memref<20000x256xf32, #tpu.memory_space<hbm>>) target(%dma_start3A_31 : memref<64x256xf32, #tpu.memory_space<vmem>>) offsets(%dma_start3A_34 : memref<64xi32, #tpu.memory_space<vmem>>) semaphore(%arg9 : memref<!tpu.dma_semaphore, #tpu.memory_space<semaphore_mem>>)
    %dma_start3A_38 = arith.constant 3 : i32
    %dma_start3A_39 = arith.constant 3 : i32
    %dma_start3A_40 = arith.constant 0 : i32
    %dma_start3A_41 = arith.constant 0 : i32
    %dma_start3A_42 = tpu.memref_slice %arg6[%dma_start3A_39, %dma_start3A_40, %dma_start3A_41] : memref<5x64x256xf32, #tpu.memory_space<vmem>> -> memref<1x64x256xf32, #tpu.memory_space<vmem>>
    %dma_start3A_43 = tpu.memref_squeeze %dma_start3A_42 : memref<1x64x256xf32, #tpu.memory_space<vmem>> -> memref<64x256xf32, #tpu.memory_space<vmem>>
    %dma_start3A_44 = arith.constant 0 : i32
    %dma_start3A_45 = tpu.memref_slice %arg5[%dma_start3A_38, %dma_start3A_44] : memref<100x64xi32, #tpu.memory_space<vmem>> -> memref<1x64xi32, #tpu.memory_space<vmem>>
    %dma_start3A_46 = tpu.memref_squeeze %dma_start3A_45 : memref<1x64xi32, #tpu.memory_space<vmem>> -> memref<64xi32, #tpu.memory_space<vmem>>
    %dma_start3A_47 = arith.constant 0 : i32
    %dma_start3A_48 = arith.constant 0 : i32
    %dma_start3A_49 = tpu.memref_slice %arg2[%dma_start3A_47, %dma_start3A_48] : memref<20000x256xf32, #tpu.memory_space<hbm>> -> memref<20000x256xf32, #tpu.memory_space<hbm>>
    tpu.enqueue_indirect_dma source(%dma_start3A_49 : memref<20000x256xf32, #tpu.memory_space<hbm>>) target(%dma_start3A_43 : memref<64x256xf32, #tpu.memory_space<vmem>>) offsets(%dma_start3A_46 : memref<64xi32, #tpu.memory_space<vmem>>) semaphore(%arg10 : memref<!tpu.dma_semaphore, #tpu.memory_space<semaphore_mem>>)
    %dma_start3A_50 = arith.constant 4 : i32
    %dma_start3A_51 = arith.constant 4 : i32
    %dma_start3A_52 = arith.constant 0 : i32
    %dma_start3A_53 = arith.constant 0 : i32
    %dma_start3A_54 = tpu.memref_slice %arg6[%dma_start3A_51, %dma_start3A_52, %dma_start3A_53] : memref<5x64x256xf32, #tpu.memory_space<vmem>> -> memref<1x64x256xf32, #tpu.memory_space<vmem>>
    %dma_start3A_55 = tpu.memref_squeeze %dma_start3A_54 : memref<1x64x256xf32, #tpu.memory_space<vmem>> -> memref<64x256xf32, #tpu.memory_space<vmem>>
    %dma_start3A_56 = arith.constant 0 : i32
    %dma_start3A_57 = tpu.memref_slice %arg5[%dma_start3A_50, %dma_start3A_56] : memref<100x64xi32, #tpu.memory_space<vmem>> -> memref<1x64xi32, #tpu.memory_space<vmem>>
    %dma_start3A_58 = tpu.memref_squeeze %dma_start3A_57 : memref<1x64xi32, #tpu.memory_space<vmem>> -> memref<64xi32, #tpu.memory_space<vmem>>
    %dma_start3A_59 = arith.constant 0 : i32
    %dma_start3A_60 = arith.constant 0 : i32
    %dma_start3A_61 = tpu.memref_slice %arg2[%dma_start3A_59, %dma_start3A_60] : memref<20000x256xf32, #tpu.memory_space<hbm>> -> memref<20000x256xf32, #tpu.memory_space<hbm>>
    tpu.enqueue_indirect_dma source(%dma_start3A_61 : memref<20000x256xf32, #tpu.memory_space<hbm>>) target(%dma_start3A_55 : memref<64x256xf32, #tpu.memory_space<vmem>>) offsets(%dma_start3A_58 : memref<64xi32, #tpu.memory_space<vmem>>) semaphore(%arg11 : memref<!tpu.dma_semaphore, #tpu.memory_space<semaphore_mem>>)
    %scan3A = arith.constant 0 : i32
    %scan3A_62 = arith.constant 0 : i32
    %scan3A_63 = arith.constant 20 : i32
    %scan3A_64 = arith.addi %scan3A_62, %scan3A_63 : i32
    %scan3A_65 = arith.constant 1 : i32
    scf.for %scan3A_67 = %scan3A_62 to %scan3A_64 step %scan3A_65  : i32 {
      %mul3A_68 = arith.constant 5 : i32
      %mul3A_69 = arith.muli %scan3A_67, %mul3A_68 : i32
      %dma_wait3A = arith.constant 0 : i32
      %dma_wait3A_70 = arith.constant 0 : i32
      %dma_wait3A_71 = arith.constant 0 : i32
      %dma_wait3A_72 = arith.constant 0 : i32
      %dma_wait3A_73 = tpu.memref_slice %arg6[%dma_wait3A_70, %dma_wait3A_71, %dma_wait3A_72] : memref<5x64x256xf32, #tpu.memory_space<vmem>> -> memref<1x64x256xf32, #tpu.memory_space<vmem>>
      %dma_wait3A_74 = tpu.memref_squeeze %dma_wait3A_73 : memref<1x64x256xf32, #tpu.memory_space<vmem>> -> memref<64x256xf32, #tpu.memory_space<vmem>>
      %dma_wait3A_75 = arith.constant 0 : i32
      %dma_wait3A_76 = tpu.memref_slice %arg5[%dma_wait3A, %dma_wait3A_75] : memref<100x64xi32, #tpu.memory_space<vmem>> -> memref<1x64xi32, #tpu.memory_space<vmem>>
      %dma_wait3A_77 = tpu.memref_squeeze %dma_wait3A_76 : memref<1x64xi32, #tpu.memory_space<vmem>> -> memref<64xi32, #tpu.memory_space<vmem>>
      %dma_wait3A_78 = arith.constant 0 : i32
      %dma_wait3A_79 = arith.constant 0 : i32
      %dma_wait3A_80 = tpu.memref_slice %arg2[%dma_wait3A_78, %dma_wait3A_79] : memref<20000x256xf32, #tpu.memory_space<hbm>> -> memref<20000x256xf32, #tpu.memory_space<hbm>>
      tpu.wait_indirect_dma semaphore(%arg7 : memref<!tpu.dma_semaphore, #tpu.memory_space<semaphore_mem>>) src(%dma_wait3A_80 : memref<20000x256xf32, #tpu.memory_space<hbm>>) dst(%dma_wait3A_74 : memref<64x256xf32, #tpu.memory_space<vmem>>)
      %add3A_81 = arith.constant 0 : i32
      %add3A_82 = arith.addi %mul3A_69, %add3A_81 : i32
      %add3A_83 = arith.addi %mul3A_2, %add3A_82 : i32
      %mul3A_84 = arith.constant 64 : i32
      %mul3A_85 = arith.muli %add3A_83, %mul3A_84 : i32
      %dma_start3A_86 = arith.constant 0 : i32
      %dma_start3A_87 = arith.constant 0 : i32
      %dma_start3A_88 = arith.constant 0 : i32
      %dma_start3A_89 = tpu.memref_slice %arg6[%dma_start3A_86, %dma_start3A_87, %dma_start3A_88] : memref<5x64x256xf32, #tpu.memory_space<vmem>> -> memref<1x64x256xf32, #tpu.memory_space<vmem>>
      %dma_start3A_90 = tpu.memref_squeeze %dma_start3A_89 : memref<1x64x256xf32, #tpu.memory_space<vmem>> -> memref<64x256xf32, #tpu.memory_space<vmem>>
      %dma_start3A_91 = arith.constant 0 : i32
      %dma_start3A_92 = tpu.memref_slice %arg4[%mul3A_85, %dma_start3A_91] : memref<204800x256xf32, #tpu.memory_space<hbm>> -> memref<64x256xf32, #tpu.memory_space<hbm>>
      %dma_start3A_93 = arith.constant 0 : i32
      %dma_start3A_94 = tpu.memref_slice %arg4[%mul3A_85, %dma_start3A_93] : memref<204800x256xf32, #tpu.memory_space<hbm>> -> memref<64x256xf32, #tpu.memory_space<hbm>>
      %dma_start3A_95 = arith.constant 0 : i32
      %dma_start3A_96 = arith.constant 0 : i32
      %dma_start3A_97 = tpu.memref_slice %arg6[%dma_start3A_86, %dma_start3A_95, %dma_start3A_96] : memref<5x64x256xf32, #tpu.memory_space<vmem>> -> memref<1x64x256xf32, #tpu.memory_space<vmem>>
      %dma_start3A_98 = tpu.memref_squeeze %dma_start3A_97 : memref<1x64x256xf32, #tpu.memory_space<vmem>> -> memref<64x256xf32, #tpu.memory_space<vmem>>
      tpu.enqueue_dma source(%dma_start3A_98 : memref<64x256xf32, #tpu.memory_space<vmem>>) target(%dma_start3A_94 : memref<64x256xf32, #tpu.memory_space<hbm>>) target_semaphore(%arg12 : memref<!tpu.dma_semaphore, #tpu.memory_space<semaphore_mem>>)
      %mul3A_99 = arith.constant 64 : i32
      %mul3A_100 = arith.muli %mul3A_2, %mul3A_99 : i32
      %dma_wait3A_101 = arith.constant 0 : i32
      %dma_wait3A_102 = arith.constant 0 : i32
      %dma_wait3A_103 = arith.constant 0 : i32
      %dma_wait3A_104 = tpu.memref_slice %arg6[%dma_wait3A_101, %dma_wait3A_102, %dma_wait3A_103] : memref<5x64x256xf32, #tpu.memory_space<vmem>> -> memref<1x64x256xf32, #tpu.memory_space<vmem>>
      %dma_wait3A_105 = tpu.memref_squeeze %dma_wait3A_104 : memref<1x64x256xf32, #tpu.memory_space<vmem>> -> memref<64x256xf32, #tpu.memory_space<vmem>>
      %dma_wait3A_106 = arith.constant 0 : i32
      %dma_wait3A_107 = tpu.memref_slice %arg4[%mul3A_100, %dma_wait3A_106] : memref<204800x256xf32, #tpu.memory_space<hbm>> -> memref<64x256xf32, #tpu.memory_space<hbm>>
      %dma_wait3A_108 = arith.constant 0 : i32
      %dma_wait3A_109 = tpu.memref_slice %arg4[%mul3A_100, %dma_wait3A_108] : memref<204800x256xf32, #tpu.memory_space<hbm>> -> memref<64x256xf32, #tpu.memory_space<hbm>>
      %dma_wait3A_110 = arith.constant 0 : i32
      %dma_wait3A_111 = arith.constant 0 : i32
      %dma_wait3A_112 = tpu.memref_slice %arg6[%dma_wait3A_101, %dma_wait3A_110, %dma_wait3A_111] : memref<5x64x256xf32, #tpu.memory_space<vmem>> -> memref<1x64x256xf32, #tpu.memory_space<vmem>>
      %dma_wait3A_113 = tpu.memref_squeeze %dma_wait3A_112 : memref<1x64x256xf32, #tpu.memory_space<vmem>> -> memref<64x256xf32, #tpu.memory_space<vmem>>
      tpu.wait_dma2 semaphore(%arg12 : memref<!tpu.dma_semaphore, #tpu.memory_space<semaphore_mem>>) src(%dma_wait3A_113 : memref<64x256xf32, #tpu.memory_space<vmem>>) dst(%dma_wait3A_109 : memref<64x256xf32, #tpu.memory_space<hbm>>)
      %lt3A = arith.constant 19 : i32
      %lt3A_114 = arith.cmpi slt, %scan3A_67, %lt3A : i32
      %convert_element_type3A = arith.extui %lt3A_114 : i1 to i32
      %cond3A = arith.constant 0 : i32
      %cond3A_115 = arith.cmpi ne, %convert_element_type3A, %cond3A : i32
      scf.if %cond3A_115 {
        %add3A_316 = arith.constant 0 : i32
        %add3A_317 = arith.addi %mul3A_69, %add3A_316 : i32
        %add3A_318 = arith.constant 5 : i32
        %add3A_319 = arith.addi %add3A_317, %add3A_318 : i32
        %dma_start3A_320 = arith.constant 0 : i32
        %dma_start3A_321 = arith.constant 0 : i32
        %dma_start3A_322 = arith.constant 0 : i32
        %dma_start3A_323 = tpu.memref_slice %arg6[%dma_start3A_320, %dma_start3A_321, %dma_start3A_322] : memref<5x64x256xf32, #tpu.memory_space<vmem>> -> memref<1x64x256xf32, #tpu.memory_space<vmem>>
        %dma_start3A_324 = tpu.memref_squeeze %dma_start3A_323 : memref<1x64x256xf32, #tpu.memory_space<vmem>> -> memref<64x256xf32, #tpu.memory_space<vmem>>
        %dma_start3A_325 = arith.constant 0 : i32
        %dma_start3A_326 = tpu.memref_slice %arg5[%add3A_319, %dma_start3A_325] : memref<100x64xi32, #tpu.memory_space<vmem>> -> memref<1x64xi32, #tpu.memory_space<vmem>>
        %dma_start3A_327 = tpu.memref_squeeze %dma_start3A_326 : memref<1x64xi32, #tpu.memory_space<vmem>> -> memref<64xi32, #tpu.memory_space<vmem>>
        %dma_start3A_328 = arith.constant 0 : i32
        %dma_start3A_329 = arith.constant 0 : i32
        %dma_start3A_330 = tpu.memref_slice %arg2[%dma_start3A_328, %dma_start3A_329] : memref<20000x256xf32, #tpu.memory_space<hbm>> -> memref<20000x256xf32, #tpu.memory_space<hbm>>
        tpu.enqueue_indirect_dma source(%dma_start3A_330 : memref<20000x256xf32, #tpu.memory_space<hbm>>) target(%dma_start3A_324 : memref<64x256xf32, #tpu.memory_space<vmem>>) offsets(%dma_start3A_327 : memref<64xi32, #tpu.memory_space<vmem>>) semaphore(%arg7 : memref<!tpu.dma_semaphore, #tpu.memory_space<semaphore_mem>>)
      } else {
      }
      %dma_wait3A_116 = arith.constant 0 : i32
      %dma_wait3A_117 = arith.constant 1 : i32
      %dma_wait3A_118 = arith.constant 0 : i32
      %dma_wait3A_119 = arith.constant 0 : i32
      %dma_wait3A_120 = tpu.memref_slice %arg6[%dma_wait3A_117, %dma_wait3A_118, %dma_wait3A_119] : memref<5x64x256xf32, #tpu.memory_space<vmem>> -> memref<1x64x256xf32, #tpu.memory_space<vmem>>
      %dma_wait3A_121 = tpu.memref_squeeze %dma_wait3A_120 : memref<1x64x256xf32, #tpu.memory_space<vmem>> -> memref<64x256xf32, #tpu.memory_space<vmem>>
      %dma_wait3A_122 = arith.constant 0 : i32
      %dma_wait3A_123 = tpu.memref_slice %arg5[%dma_wait3A_116, %dma_wait3A_122] : memref<100x64xi32, #tpu.memory_space<vmem>> -> memref<1x64xi32, #tpu.memory_space<vmem>>
      %dma_wait3A_124 = tpu.memref_squeeze %dma_wait3A_123 : memref<1x64xi32, #tpu.memory_space<vmem>> -> memref<64xi32, #tpu.memory_space<vmem>>
      %dma_wait3A_125 = arith.constant 0 : i32
      %dma_wait3A_126 = arith.constant 0 : i32
      %dma_wait3A_127 = tpu.memref_slice %arg2[%dma_wait3A_125, %dma_wait3A_126] : memref<20000x256xf32, #tpu.memory_space<hbm>> -> memref<20000x256xf32, #tpu.memory_space<hbm>>
      tpu.wait_indirect_dma semaphore(%arg8 : memref<!tpu.dma_semaphore, #tpu.memory_space<semaphore_mem>>) src(%dma_wait3A_127 : memref<20000x256xf32, #tpu.memory_space<hbm>>) dst(%dma_wait3A_121 : memref<64x256xf32, #tpu.memory_space<vmem>>)
      %add3A_128 = arith.constant 1 : i32
      %add3A_129 = arith.addi %mul3A_69, %add3A_128 : i32
      %add3A_130 = arith.addi %mul3A_2, %add3A_129 : i32
      %mul3A_131 = arith.constant 64 : i32
      %mul3A_132 = arith.muli %add3A_130, %mul3A_131 : i32
      %dma_start3A_133 = arith.constant 1 : i32
      %dma_start3A_134 = arith.constant 0 : i32
      %dma_start3A_135 = arith.constant 0 : i32
      %dma_start3A_136 = tpu.memref_slice %arg6[%dma_start3A_133, %dma_start3A_134, %dma_start3A_135] : memref<5x64x256xf32, #tpu.memory_space<vmem>> -> memref<1x64x256xf32, #tpu.memory_space<vmem>>
      %dma_start3A_137 = tpu.memref_squeeze %dma_start3A_136 : memref<1x64x256xf32, #tpu.memory_space<vmem>> -> memref<64x256xf32, #tpu.memory_space<vmem>>
      %dma_start3A_138 = arith.constant 0 : i32
      %dma_start3A_139 = tpu.memref_slice %arg4[%mul3A_132, %dma_start3A_138] : memref<204800x256xf32, #tpu.memory_space<hbm>> -> memref<64x256xf32, #tpu.memory_space<hbm>>
      %dma_start3A_140 = arith.constant 0 : i32
      %dma_start3A_141 = tpu.memref_slice %arg4[%mul3A_132, %dma_start3A_140] : memref<204800x256xf32, #tpu.memory_space<hbm>> -> memref<64x256xf32, #tpu.memory_space<hbm>>
      %dma_start3A_142 = arith.constant 0 : i32
      %dma_start3A_143 = arith.constant 0 : i32
      %dma_start3A_144 = tpu.memref_slice %arg6[%dma_start3A_133, %dma_start3A_142, %dma_start3A_143] : memref<5x64x256xf32, #tpu.memory_space<vmem>> -> memref<1x64x256xf32, #tpu.memory_space<vmem>>
      %dma_start3A_145 = tpu.memref_squeeze %dma_start3A_144 : memref<1x64x256xf32, #tpu.memory_space<vmem>> -> memref<64x256xf32, #tpu.memory_space<vmem>>
      tpu.enqueue_dma source(%dma_start3A_145 : memref<64x256xf32, #tpu.memory_space<vmem>>) target(%dma_start3A_141 : memref<64x256xf32, #tpu.memory_space<hbm>>) target_semaphore(%arg13 : memref<!tpu.dma_semaphore, #tpu.memory_space<semaphore_mem>>)
      %mul3A_146 = arith.constant 64 : i32
      %mul3A_147 = arith.muli %mul3A_2, %mul3A_146 : i32
      %dma_wait3A_148 = arith.constant 1 : i32
      %dma_wait3A_149 = arith.constant 0 : i32
      %dma_wait3A_150 = arith.constant 0 : i32
      %dma_wait3A_151 = tpu.memref_slice %arg6[%dma_wait3A_148, %dma_wait3A_149, %dma_wait3A_150] : memref<5x64x256xf32, #tpu.memory_space<vmem>> -> memref<1x64x256xf32, #tpu.memory_space<vmem>>
      %dma_wait3A_152 = tpu.memref_squeeze %dma_wait3A_151 : memref<1x64x256xf32, #tpu.memory_space<vmem>> -> memref<64x256xf32, #tpu.memory_space<vmem>>
      %dma_wait3A_153 = arith.constant 0 : i32
      %dma_wait3A_154 = tpu.memref_slice %arg4[%mul3A_147, %dma_wait3A_153] : memref<204800x256xf32, #tpu.memory_space<hbm>> -> memref<64x256xf32, #tpu.memory_space<hbm>>
      %dma_wait3A_155 = arith.constant 0 : i32
      %dma_wait3A_156 = tpu.memref_slice %arg4[%mul3A_147, %dma_wait3A_155] : memref<204800x256xf32, #tpu.memory_space<hbm>> -> memref<64x256xf32, #tpu.memory_space<hbm>>
      %dma_wait3A_157 = arith.constant 0 : i32
      %dma_wait3A_158 = arith.constant 0 : i32
      %dma_wait3A_159 = tpu.memref_slice %arg6[%dma_wait3A_148, %dma_wait3A_157, %dma_wait3A_158] : memref<5x64x256xf32, #tpu.memory_space<vmem>> -> memref<1x64x256xf32, #tpu.memory_space<vmem>>
      %dma_wait3A_160 = tpu.memref_squeeze %dma_wait3A_159 : memref<1x64x256xf32, #tpu.memory_space<vmem>> -> memref<64x256xf32, #tpu.memory_space<vmem>>
      tpu.wait_dma2 semaphore(%arg13 : memref<!tpu.dma_semaphore, #tpu.memory_space<semaphore_mem>>) src(%dma_wait3A_160 : memref<64x256xf32, #tpu.memory_space<vmem>>) dst(%dma_wait3A_156 : memref<64x256xf32, #tpu.memory_space<hbm>>)
      %lt3A_161 = arith.constant 19 : i32
      %lt3A_162 = arith.cmpi slt, %scan3A_67, %lt3A_161 : i32
      %convert_element_type3A_163 = arith.extui %lt3A_162 : i1 to i32
      %cond3A_164 = arith.constant 0 : i32
      %cond3A_165 = arith.cmpi ne, %convert_element_type3A_163, %cond3A_164 : i32
      scf.if %cond3A_165 {
        %add3A_316 = arith.constant 1 : i32
        %add3A_317 = arith.addi %mul3A_69, %add3A_316 : i32
        %add3A_318 = arith.constant 5 : i32
        %add3A_319 = arith.addi %add3A_317, %add3A_318 : i32
        %dma_start3A_320 = arith.constant 1 : i32
        %dma_start3A_321 = arith.constant 0 : i32
        %dma_start3A_322 = arith.constant 0 : i32
        %dma_start3A_323 = tpu.memref_slice %arg6[%dma_start3A_320, %dma_start3A_321, %dma_start3A_322] : memref<5x64x256xf32, #tpu.memory_space<vmem>> -> memref<1x64x256xf32, #tpu.memory_space<vmem>>
        %dma_start3A_324 = tpu.memref_squeeze %dma_start3A_323 : memref<1x64x256xf32, #tpu.memory_space<vmem>> -> memref<64x256xf32, #tpu.memory_space<vmem>>
        %dma_start3A_325 = arith.constant 0 : i32
        %dma_start3A_326 = tpu.memref_slice %arg5[%add3A_319, %dma_start3A_325] : memref<100x64xi32, #tpu.memory_space<vmem>> -> memref<1x64xi32, #tpu.memory_space<vmem>>
        %dma_start3A_327 = tpu.memref_squeeze %dma_start3A_326 : memref<1x64xi32, #tpu.memory_space<vmem>> -> memref<64xi32, #tpu.memory_space<vmem>>
        %dma_start3A_328 = arith.constant 0 : i32
        %dma_start3A_329 = arith.constant 0 : i32
        %dma_start3A_330 = tpu.memref_slice %arg2[%dma_start3A_328, %dma_start3A_329] : memref<20000x256xf32, #tpu.memory_space<hbm>> -> memref<20000x256xf32, #tpu.memory_space<hbm>>
        tpu.enqueue_indirect_dma source(%dma_start3A_330 : memref<20000x256xf32, #tpu.memory_space<hbm>>) target(%dma_start3A_324 : memref<64x256xf32, #tpu.memory_space<vmem>>) offsets(%dma_start3A_327 : memref<64xi32, #tpu.memory_space<vmem>>) semaphore(%arg8 : memref<!tpu.dma_semaphore, #tpu.memory_space<semaphore_mem>>)
      } else {
      }
      %dma_wait3A_166 = arith.constant 0 : i32
      %dma_wait3A_167 = arith.constant 2 : i32
      %dma_wait3A_168 = arith.constant 0 : i32
      %dma_wait3A_169 = arith.constant 0 : i32
      %dma_wait3A_170 = tpu.memref_slice %arg6[%dma_wait3A_167, %dma_wait3A_168, %dma_wait3A_169] : memref<5x64x256xf32, #tpu.memory_space<vmem>> -> memref<1x64x256xf32, #tpu.memory_space<vmem>>
      %dma_wait3A_171 = tpu.memref_squeeze %dma_wait3A_170 : memref<1x64x256xf32, #tpu.memory_space<vmem>> -> memref<64x256xf32, #tpu.memory_space<vmem>>
      %dma_wait3A_172 = arith.constant 0 : i32
      %dma_wait3A_173 = tpu.memref_slice %arg5[%dma_wait3A_166, %dma_wait3A_172] : memref<100x64xi32, #tpu.memory_space<vmem>> -> memref<1x64xi32, #tpu.memory_space<vmem>>
      %dma_wait3A_174 = tpu.memref_squeeze %dma_wait3A_173 : memref<1x64xi32, #tpu.memory_space<vmem>> -> memref<64xi32, #tpu.memory_space<vmem>>
      %dma_wait3A_175 = arith.constant 0 : i32
      %dma_wait3A_176 = arith.constant 0 : i32
      %dma_wait3A_177 = tpu.memref_slice %arg2[%dma_wait3A_175, %dma_wait3A_176] : memref<20000x256xf32, #tpu.memory_space<hbm>> -> memref<20000x256xf32, #tpu.memory_space<hbm>>
      tpu.wait_indirect_dma semaphore(%arg9 : memref<!tpu.dma_semaphore, #tpu.memory_space<semaphore_mem>>) src(%dma_wait3A_177 : memref<20000x256xf32, #tpu.memory_space<hbm>>) dst(%dma_wait3A_171 : memref<64x256xf32, #tpu.memory_space<vmem>>)
      %add3A_178 = arith.constant 2 : i32
      %add3A_179 = arith.addi %mul3A_69, %add3A_178 : i32
      %add3A_180 = arith.addi %mul3A_2, %add3A_179 : i32
      %mul3A_181 = arith.constant 64 : i32
      %mul3A_182 = arith.muli %add3A_180, %mul3A_181 : i32
      %dma_start3A_183 = arith.constant 2 : i32
      %dma_start3A_184 = arith.constant 0 : i32
      %dma_start3A_185 = arith.constant 0 : i32
      %dma_start3A_186 = tpu.memref_slice %arg6[%dma_start3A_183, %dma_start3A_184, %dma_start3A_185] : memref<5x64x256xf32, #tpu.memory_space<vmem>> -> memref<1x64x256xf32, #tpu.memory_space<vmem>>
      %dma_start3A_187 = tpu.memref_squeeze %dma_start3A_186 : memref<1x64x256xf32, #tpu.memory_space<vmem>> -> memref<64x256xf32, #tpu.memory_space<vmem>>
      %dma_start3A_188 = arith.constant 0 : i32
      %dma_start3A_189 = tpu.memref_slice %arg4[%mul3A_182, %dma_start3A_188] : memref<204800x256xf32, #tpu.memory_space<hbm>> -> memref<64x256xf32, #tpu.memory_space<hbm>>
      %dma_start3A_190 = arith.constant 0 : i32
      %dma_start3A_191 = tpu.memref_slice %arg4[%mul3A_182, %dma_start3A_190] : memref<204800x256xf32, #tpu.memory_space<hbm>> -> memref<64x256xf32, #tpu.memory_space<hbm>>
      %dma_start3A_192 = arith.constant 0 : i32
      %dma_start3A_193 = arith.constant 0 : i32
      %dma_start3A_194 = tpu.memref_slice %arg6[%dma_start3A_183, %dma_start3A_192, %dma_start3A_193] : memref<5x64x256xf32, #tpu.memory_space<vmem>> -> memref<1x64x256xf32, #tpu.memory_space<vmem>>
      %dma_start3A_195 = tpu.memref_squeeze %dma_start3A_194 : memref<1x64x256xf32, #tpu.memory_space<vmem>> -> memref<64x256xf32, #tpu.memory_space<vmem>>
      tpu.enqueue_dma source(%dma_start3A_195 : memref<64x256xf32, #tpu.memory_space<vmem>>) target(%dma_start3A_191 : memref<64x256xf32, #tpu.memory_space<hbm>>) target_semaphore(%arg14 : memref<!tpu.dma_semaphore, #tpu.memory_space<semaphore_mem>>)
      %mul3A_196 = arith.constant 64 : i32
      %mul3A_197 = arith.muli %mul3A_2, %mul3A_196 : i32
      %dma_wait3A_198 = arith.constant 2 : i32
      %dma_wait3A_199 = arith.constant 0 : i32
      %dma_wait3A_200 = arith.constant 0 : i32
      %dma_wait3A_201 = tpu.memref_slice %arg6[%dma_wait3A_198, %dma_wait3A_199, %dma_wait3A_200] : memref<5x64x256xf32, #tpu.memory_space<vmem>> -> memref<1x64x256xf32, #tpu.memory_space<vmem>>
      %dma_wait3A_202 = tpu.memref_squeeze %dma_wait3A_201 : memref<1x64x256xf32, #tpu.memory_space<vmem>> -> memref<64x256xf32, #tpu.memory_space<vmem>>
      %dma_wait3A_203 = arith.constant 0 : i32
      %dma_wait3A_204 = tpu.memref_slice %arg4[%mul3A_197, %dma_wait3A_203] : memref<204800x256xf32, #tpu.memory_space<hbm>> -> memref<64x256xf32, #tpu.memory_space<hbm>>
      %dma_wait3A_205 = arith.constant 0 : i32
      %dma_wait3A_206 = tpu.memref_slice %arg4[%mul3A_197, %dma_wait3A_205] : memref<204800x256xf32, #tpu.memory_space<hbm>> -> memref<64x256xf32, #tpu.memory_space<hbm>>
      %dma_wait3A_207 = arith.constant 0 : i32
      %dma_wait3A_208 = arith.constant 0 : i32
      %dma_wait3A_209 = tpu.memref_slice %arg6[%dma_wait3A_198, %dma_wait3A_207, %dma_wait3A_208] : memref<5x64x256xf32, #tpu.memory_space<vmem>> -> memref<1x64x256xf32, #tpu.memory_space<vmem>>
      %dma_wait3A_210 = tpu.memref_squeeze %dma_wait3A_209 : memref<1x64x256xf32, #tpu.memory_space<vmem>> -> memref<64x256xf32, #tpu.memory_space<vmem>>
      tpu.wait_dma2 semaphore(%arg14 : memref<!tpu.dma_semaphore, #tpu.memory_space<semaphore_mem>>) src(%dma_wait3A_210 : memref<64x256xf32, #tpu.memory_space<vmem>>) dst(%dma_wait3A_206 : memref<64x256xf32, #tpu.memory_space<hbm>>)
      %lt3A_211 = arith.constant 19 : i32
      %lt3A_212 = arith.cmpi slt, %scan3A_67, %lt3A_211 : i32
      %convert_element_type3A_213 = arith.extui %lt3A_212 : i1 to i32
      %cond3A_214 = arith.constant 0 : i32
      %cond3A_215 = arith.cmpi ne, %convert_element_type3A_213, %cond3A_214 : i32
      scf.if %cond3A_215 {
        %add3A_316 = arith.constant 2 : i32
        %add3A_317 = arith.addi %mul3A_69, %add3A_316 : i32
        %add3A_318 = arith.constant 5 : i32
        %add3A_319 = arith.addi %add3A_317, %add3A_318 : i32
        %dma_start3A_320 = arith.constant 2 : i32
        %dma_start3A_321 = arith.constant 0 : i32
        %dma_start3A_322 = arith.constant 0 : i32
        %dma_start3A_323 = tpu.memref_slice %arg6[%dma_start3A_320, %dma_start3A_321, %dma_start3A_322] : memref<5x64x256xf32, #tpu.memory_space<vmem>> -> memref<1x64x256xf32, #tpu.memory_space<vmem>>
        %dma_start3A_324 = tpu.memref_squeeze %dma_start3A_323 : memref<1x64x256xf32, #tpu.memory_space<vmem>> -> memref<64x256xf32, #tpu.memory_space<vmem>>
        %dma_start3A_325 = arith.constant 0 : i32
        %dma_start3A_326 = tpu.memref_slice %arg5[%add3A_319, %dma_start3A_325] : memref<100x64xi32, #tpu.memory_space<vmem>> -> memref<1x64xi32, #tpu.memory_space<vmem>>
        %dma_start3A_327 = tpu.memref_squeeze %dma_start3A_326 : memref<1x64xi32, #tpu.memory_space<vmem>> -> memref<64xi32, #tpu.memory_space<vmem>>
        %dma_start3A_328 = arith.constant 0 : i32
        %dma_start3A_329 = arith.constant 0 : i32
        %dma_start3A_330 = tpu.memref_slice %arg2[%dma_start3A_328, %dma_start3A_329] : memref<20000x256xf32, #tpu.memory_space<hbm>> -> memref<20000x256xf32, #tpu.memory_space<hbm>>
        tpu.enqueue_indirect_dma source(%dma_start3A_330 : memref<20000x256xf32, #tpu.memory_space<hbm>>) target(%dma_start3A_324 : memref<64x256xf32, #tpu.memory_space<vmem>>) offsets(%dma_start3A_327 : memref<64xi32, #tpu.memory_space<vmem>>) semaphore(%arg9 : memref<!tpu.dma_semaphore, #tpu.memory_space<semaphore_mem>>)
      } else {
      }
      %dma_wait3A_216 = arith.constant 0 : i32
      %dma_wait3A_217 = arith.constant 3 : i32
      %dma_wait3A_218 = arith.constant 0 : i32
      %dma_wait3A_219 = arith.constant 0 : i32
      %dma_wait3A_220 = tpu.memref_slice %arg6[%dma_wait3A_217, %dma_wait3A_218, %dma_wait3A_219] : memref<5x64x256xf32, #tpu.memory_space<vmem>> -> memref<1x64x256xf32, #tpu.memory_space<vmem>>
      %dma_wait3A_221 = tpu.memref_squeeze %dma_wait3A_220 : memref<1x64x256xf32, #tpu.memory_space<vmem>> -> memref<64x256xf32, #tpu.memory_space<vmem>>
      %dma_wait3A_222 = arith.constant 0 : i32
      %dma_wait3A_223 = tpu.memref_slice %arg5[%dma_wait3A_216, %dma_wait3A_222] : memref<100x64xi32, #tpu.memory_space<vmem>> -> memref<1x64xi32, #tpu.memory_space<vmem>>
      %dma_wait3A_224 = tpu.memref_squeeze %dma_wait3A_223 : memref<1x64xi32, #tpu.memory_space<vmem>> -> memref<64xi32, #tpu.memory_space<vmem>>
      %dma_wait3A_225 = arith.constant 0 : i32
      %dma_wait3A_226 = arith.constant 0 : i32
      %dma_wait3A_227 = tpu.memref_slice %arg2[%dma_wait3A_225, %dma_wait3A_226] : memref<20000x256xf32, #tpu.memory_space<hbm>> -> memref<20000x256xf32, #tpu.memory_space<hbm>>
      tpu.wait_indirect_dma semaphore(%arg10 : memref<!tpu.dma_semaphore, #tpu.memory_space<semaphore_mem>>) src(%dma_wait3A_227 : memref<20000x256xf32, #tpu.memory_space<hbm>>) dst(%dma_wait3A_221 : memref<64x256xf32, #tpu.memory_space<vmem>>)
      %add3A_228 = arith.constant 3 : i32
      %add3A_229 = arith.addi %mul3A_69, %add3A_228 : i32
      %add3A_230 = arith.addi %mul3A_2, %add3A_229 : i32
      %mul3A_231 = arith.constant 64 : i32
      %mul3A_232 = arith.muli %add3A_230, %mul3A_231 : i32
      %dma_start3A_233 = arith.constant 3 : i32
      %dma_start3A_234 = arith.constant 0 : i32
      %dma_start3A_235 = arith.constant 0 : i32
      %dma_start3A_236 = tpu.memref_slice %arg6[%dma_start3A_233, %dma_start3A_234, %dma_start3A_235] : memref<5x64x256xf32, #tpu.memory_space<vmem>> -> memref<1x64x256xf32, #tpu.memory_space<vmem>>
      %dma_start3A_237 = tpu.memref_squeeze %dma_start3A_236 : memref<1x64x256xf32, #tpu.memory_space<vmem>> -> memref<64x256xf32, #tpu.memory_space<vmem>>
      %dma_start3A_238 = arith.constant 0 : i32
      %dma_start3A_239 = tpu.memref_slice %arg4[%mul3A_232, %dma_start3A_238] : memref<204800x256xf32, #tpu.memory_space<hbm>> -> memref<64x256xf32, #tpu.memory_space<hbm>>
      %dma_start3A_240 = arith.constant 0 : i32
      %dma_start3A_241 = tpu.memref_slice %arg4[%mul3A_232, %dma_start3A_240] : memref<204800x256xf32, #tpu.memory_space<hbm>> -> memref<64x256xf32, #tpu.memory_space<hbm>>
      %dma_start3A_242 = arith.constant 0 : i32
      %dma_start3A_243 = arith.constant 0 : i32
      %dma_start3A_244 = tpu.memref_slice %arg6[%dma_start3A_233, %dma_start3A_242, %dma_start3A_243] : memref<5x64x256xf32, #tpu.memory_space<vmem>> -> memref<1x64x256xf32, #tpu.memory_space<vmem>>
      %dma_start3A_245 = tpu.memref_squeeze %dma_start3A_244 : memref<1x64x256xf32, #tpu.memory_space<vmem>> -> memref<64x256xf32, #tpu.memory_space<vmem>>
      tpu.enqueue_dma source(%dma_start3A_245 : memref<64x256xf32, #tpu.memory_space<vmem>>) target(%dma_start3A_241 : memref<64x256xf32, #tpu.memory_space<hbm>>) target_semaphore(%arg15 : memref<!tpu.dma_semaphore, #tpu.memory_space<semaphore_mem>>)
      %mul3A_246 = arith.constant 64 : i32
      %mul3A_247 = arith.muli %mul3A_2, %mul3A_246 : i32
      %dma_wait3A_248 = arith.constant 3 : i32
      %dma_wait3A_249 = arith.constant 0 : i32
      %dma_wait3A_250 = arith.constant 0 : i32
      %dma_wait3A_251 = tpu.memref_slice %arg6[%dma_wait3A_248, %dma_wait3A_249, %dma_wait3A_250] : memref<5x64x256xf32, #tpu.memory_space<vmem>> -> memref<1x64x256xf32, #tpu.memory_space<vmem>>
      %dma_wait3A_252 = tpu.memref_squeeze %dma_wait3A_251 : memref<1x64x256xf32, #tpu.memory_space<vmem>> -> memref<64x256xf32, #tpu.memory_space<vmem>>
      %dma_wait3A_253 = arith.constant 0 : i32
      %dma_wait3A_254 = tpu.memref_slice %arg4[%mul3A_247, %dma_wait3A_253] : memref<204800x256xf32, #tpu.memory_space<hbm>> -> memref<64x256xf32, #tpu.memory_space<hbm>>
      %dma_wait3A_255 = arith.constant 0 : i32
      %dma_wait3A_256 = tpu.memref_slice %arg4[%mul3A_247, %dma_wait3A_255] : memref<204800x256xf32, #tpu.memory_space<hbm>> -> memref<64x256xf32, #tpu.memory_space<hbm>>
      %dma_wait3A_257 = arith.constant 0 : i32
      %dma_wait3A_258 = arith.constant 0 : i32
      %dma_wait3A_259 = tpu.memref_slice %arg6[%dma_wait3A_248, %dma_wait3A_257, %dma_wait3A_258] : memref<5x64x256xf32, #tpu.memory_space<vmem>> -> memref<1x64x256xf32, #tpu.memory_space<vmem>>
      %dma_wait3A_260 = tpu.memref_squeeze %dma_wait3A_259 : memref<1x64x256xf32, #tpu.memory_space<vmem>> -> memref<64x256xf32, #tpu.memory_space<vmem>>
      tpu.wait_dma2 semaphore(%arg15 : memref<!tpu.dma_semaphore, #tpu.memory_space<semaphore_mem>>) src(%dma_wait3A_260 : memref<64x256xf32, #tpu.memory_space<vmem>>) dst(%dma_wait3A_256 : memref<64x256xf32, #tpu.memory_space<hbm>>)
      %lt3A_261 = arith.constant 19 : i32
      %lt3A_262 = arith.cmpi slt, %scan3A_67, %lt3A_261 : i32
      %convert_element_type3A_263 = arith.extui %lt3A_262 : i1 to i32
      %cond3A_264 = arith.constant 0 : i32
      %cond3A_265 = arith.cmpi ne, %convert_element_type3A_263, %cond3A_264 : i32
      scf.if %cond3A_265 {
        %add3A_316 = arith.constant 3 : i32
        %add3A_317 = arith.addi %mul3A_69, %add3A_316 : i32
        %add3A_318 = arith.constant 5 : i32
        %add3A_319 = arith.addi %add3A_317, %add3A_318 : i32
        %dma_start3A_320 = arith.constant 3 : i32
        %dma_start3A_321 = arith.constant 0 : i32
        %dma_start3A_322 = arith.constant 0 : i32
        %dma_start3A_323 = tpu.memref_slice %arg6[%dma_start3A_320, %dma_start3A_321, %dma_start3A_322] : memref<5x64x256xf32, #tpu.memory_space<vmem>> -> memref<1x64x256xf32, #tpu.memory_space<vmem>>
        %dma_start3A_324 = tpu.memref_squeeze %dma_start3A_323 : memref<1x64x256xf32, #tpu.memory_space<vmem>> -> memref<64x256xf32, #tpu.memory_space<vmem>>
        %dma_start3A_325 = arith.constant 0 : i32
        %dma_start3A_326 = tpu.memref_slice %arg5[%add3A_319, %dma_start3A_325] : memref<100x64xi32, #tpu.memory_space<vmem>> -> memref<1x64xi32, #tpu.memory_space<vmem>>
        %dma_start3A_327 = tpu.memref_squeeze %dma_start3A_326 : memref<1x64xi32, #tpu.memory_space<vmem>> -> memref<64xi32, #tpu.memory_space<vmem>>
        %dma_start3A_328 = arith.constant 0 : i32
        %dma_start3A_329 = arith.constant 0 : i32
        %dma_start3A_330 = tpu.memref_slice %arg2[%dma_start3A_328, %dma_start3A_329] : memref<20000x256xf32, #tpu.memory_space<hbm>> -> memref<20000x256xf32, #tpu.memory_space<hbm>>
        tpu.enqueue_indirect_dma source(%dma_start3A_330 : memref<20000x256xf32, #tpu.memory_space<hbm>>) target(%dma_start3A_324 : memref<64x256xf32, #tpu.memory_space<vmem>>) offsets(%dma_start3A_327 : memref<64xi32, #tpu.memory_space<vmem>>) semaphore(%arg10 : memref<!tpu.dma_semaphore, #tpu.memory_space<semaphore_mem>>)
      } else {
      }
      %dma_wait3A_266 = arith.constant 0 : i32
      %dma_wait3A_267 = arith.constant 4 : i32
      %dma_wait3A_268 = arith.constant 0 : i32
      %dma_wait3A_269 = arith.constant 0 : i32
      %dma_wait3A_270 = tpu.memref_slice %arg6[%dma_wait3A_267, %dma_wait3A_268, %dma_wait3A_269] : memref<5x64x256xf32, #tpu.memory_space<vmem>> -> memref<1x64x256xf32, #tpu.memory_space<vmem>>
      %dma_wait3A_271 = tpu.memref_squeeze %dma_wait3A_270 : memref<1x64x256xf32, #tpu.memory_space<vmem>> -> memref<64x256xf32, #tpu.memory_space<vmem>>
      %dma_wait3A_272 = arith.constant 0 : i32
      %dma_wait3A_273 = tpu.memref_slice %arg5[%dma_wait3A_266, %dma_wait3A_272] : memref<100x64xi32, #tpu.memory_space<vmem>> -> memref<1x64xi32, #tpu.memory_space<vmem>>
      %dma_wait3A_274 = tpu.memref_squeeze %dma_wait3A_273 : memref<1x64xi32, #tpu.memory_space<vmem>> -> memref<64xi32, #tpu.memory_space<vmem>>
      %dma_wait3A_275 = arith.constant 0 : i32
      %dma_wait3A_276 = arith.constant 0 : i32
      %dma_wait3A_277 = tpu.memref_slice %arg2[%dma_wait3A_275, %dma_wait3A_276] : memref<20000x256xf32, #tpu.memory_space<hbm>> -> memref<20000x256xf32, #tpu.memory_space<hbm>>
      tpu.wait_indirect_dma semaphore(%arg11 : memref<!tpu.dma_semaphore, #tpu.memory_space<semaphore_mem>>) src(%dma_wait3A_277 : memref<20000x256xf32, #tpu.memory_space<hbm>>) dst(%dma_wait3A_271 : memref<64x256xf32, #tpu.memory_space<vmem>>)
      %add3A_278 = arith.constant 4 : i32
      %add3A_279 = arith.addi %mul3A_69, %add3A_278 : i32
      %add3A_280 = arith.addi %mul3A_2, %add3A_279 : i32
      %mul3A_281 = arith.constant 64 : i32
      %mul3A_282 = arith.muli %add3A_280, %mul3A_281 : i32
      %dma_start3A_283 = arith.constant 4 : i32
      %dma_start3A_284 = arith.constant 0 : i32
      %dma_start3A_285 = arith.constant 0 : i32
      %dma_start3A_286 = tpu.memref_slice %arg6[%dma_start3A_283, %dma_start3A_284, %dma_start3A_285] : memref<5x64x256xf32, #tpu.memory_space<vmem>> -> memref<1x64x256xf32, #tpu.memory_space<vmem>>
      %dma_start3A_287 = tpu.memref_squeeze %dma_start3A_286 : memref<1x64x256xf32, #tpu.memory_space<vmem>> -> memref<64x256xf32, #tpu.memory_space<vmem>>
      %dma_start3A_288 = arith.constant 0 : i32
      %dma_start3A_289 = tpu.memref_slice %arg4[%mul3A_282, %dma_start3A_288] : memref<204800x256xf32, #tpu.memory_space<hbm>> -> memref<64x256xf32, #tpu.memory_space<hbm>>
      %dma_start3A_290 = arith.constant 0 : i32
      %dma_start3A_291 = tpu.memref_slice %arg4[%mul3A_282, %dma_start3A_290] : memref<204800x256xf32, #tpu.memory_space<hbm>> -> memref<64x256xf32, #tpu.memory_space<hbm>>
      %dma_start3A_292 = arith.constant 0 : i32
      %dma_start3A_293 = arith.constant 0 : i32
      %dma_start3A_294 = tpu.memref_slice %arg6[%dma_start3A_283, %dma_start3A_292, %dma_start3A_293] : memref<5x64x256xf32, #tpu.memory_space<vmem>> -> memref<1x64x256xf32, #tpu.memory_space<vmem>>
      %dma_start3A_295 = tpu.memref_squeeze %dma_start3A_294 : memref<1x64x256xf32, #tpu.memory_space<vmem>> -> memref<64x256xf32, #tpu.memory_space<vmem>>
      tpu.enqueue_dma source(%dma_start3A_295 : memref<64x256xf32, #tpu.memory_space<vmem>>) target(%dma_start3A_291 : memref<64x256xf32, #tpu.memory_space<hbm>>) target_semaphore(%arg16 : memref<!tpu.dma_semaphore, #tpu.memory_space<semaphore_mem>>)
      %mul3A_296 = arith.constant 64 : i32
      %mul3A_297 = arith.muli %mul3A_2, %mul3A_296 : i32
      %dma_wait3A_298 = arith.constant 4 : i32
      %dma_wait3A_299 = arith.constant 0 : i32
      %dma_wait3A_300 = arith.constant 0 : i32
      %dma_wait3A_301 = tpu.memref_slice %arg6[%dma_wait3A_298, %dma_wait3A_299, %dma_wait3A_300] : memref<5x64x256xf32, #tpu.memory_space<vmem>> -> memref<1x64x256xf32, #tpu.memory_space<vmem>>
      %dma_wait3A_302 = tpu.memref_squeeze %dma_wait3A_301 : memref<1x64x256xf32, #tpu.memory_space<vmem>> -> memref<64x256xf32, #tpu.memory_space<vmem>>
      %dma_wait3A_303 = arith.constant 0 : i32
      %dma_wait3A_304 = tpu.memref_slice %arg4[%mul3A_297, %dma_wait3A_303] : memref<204800x256xf32, #tpu.memory_space<hbm>> -> memref<64x256xf32, #tpu.memory_space<hbm>>
      %dma_wait3A_305 = arith.constant 0 : i32
      %dma_wait3A_306 = tpu.memref_slice %arg4[%mul3A_297, %dma_wait3A_305] : memref<204800x256xf32, #tpu.memory_space<hbm>> -> memref<64x256xf32, #tpu.memory_space<hbm>>
      %dma_wait3A_307 = arith.constant 0 : i32
      %dma_wait3A_308 = arith.constant 0 : i32
      %dma_wait3A_309 = tpu.memref_slice %arg6[%dma_wait3A_298, %dma_wait3A_307, %dma_wait3A_308] : memref<5x64x256xf32, #tpu.memory_space<vmem>> -> memref<1x64x256xf32, #tpu.memory_space<vmem>>
      %dma_wait3A_310 = tpu.memref_squeeze %dma_wait3A_309 : memref<1x64x256xf32, #tpu.memory_space<vmem>> -> memref<64x256xf32, #tpu.memory_space<vmem>>
      tpu.wait_dma2 semaphore(%arg16 : memref<!tpu.dma_semaphore, #tpu.memory_space<semaphore_mem>>) src(%dma_wait3A_310 : memref<64x256xf32, #tpu.memory_space<vmem>>) dst(%dma_wait3A_306 : memref<64x256xf32, #tpu.memory_space<hbm>>)
      %lt3A_311 = arith.constant 19 : i32
      %lt3A_312 = arith.cmpi slt, %scan3A_67, %lt3A_311 : i32
      %convert_element_type3A_313 = arith.extui %lt3A_312 : i1 to i32
      %cond3A_314 = arith.constant 0 : i32
      %cond3A_315 = arith.cmpi ne, %convert_element_type3A_313, %cond3A_314 : i32
      scf.if %cond3A_315 {
        %add3A_316 = arith.constant 4 : i32
        %add3A_317 = arith.addi %mul3A_69, %add3A_316 : i32
        %add3A_318 = arith.constant 5 : i32
        %add3A_319 = arith.addi %add3A_317, %add3A_318 : i32
        %dma_start3A_320 = arith.constant 4 : i32
        %dma_start3A_321 = arith.constant 0 : i32
        %dma_start3A_322 = arith.constant 0 : i32
        %dma_start3A_323 = tpu.memref_slice %arg6[%dma_start3A_320, %dma_start3A_321, %dma_start3A_322] : memref<5x64x256xf32, #tpu.memory_space<vmem>> -> memref<1x64x256xf32, #tpu.memory_space<vmem>>
        %dma_start3A_324 = tpu.memref_squeeze %dma_start3A_323 : memref<1x64x256xf32, #tpu.memory_space<vmem>> -> memref<64x256xf32, #tpu.memory_space<vmem>>
        %dma_start3A_325 = arith.constant 0 : i32
        %dma_start3A_326 = tpu.memref_slice %arg5[%add3A_319, %dma_start3A_325] : memref<100x64xi32, #tpu.memory_space<vmem>> -> memref<1x64xi32, #tpu.memory_space<vmem>>
        %dma_start3A_327 = tpu.memref_squeeze %dma_start3A_326 : memref<1x64xi32, #tpu.memory_space<vmem>> -> memref<64xi32, #tpu.memory_space<vmem>>
        %dma_start3A_328 = arith.constant 0 : i32
        %dma_start3A_329 = arith.constant 0 : i32
        %dma_start3A_330 = tpu.memref_slice %arg2[%dma_start3A_328, %dma_start3A_329] : memref<20000x256xf32, #tpu.memory_space<hbm>> -> memref<20000x256xf32, #tpu.memory_space<hbm>>
        tpu.enqueue_indirect_dma source(%dma_start3A_330 : memref<20000x256xf32, #tpu.memory_space<hbm>>) target(%dma_start3A_324 : memref<64x256xf32, #tpu.memory_space<vmem>>) offsets(%dma_start3A_327 : memref<64xi32, #tpu.memory_space<vmem>>) semaphore(%arg11 : memref<!tpu.dma_semaphore, #tpu.memory_space<semaphore_mem>>)
      } else {
      }
    }
    %scan3A_66 = arith.constant 20 : i32
    return
  }
}

</mosaic_0001>

<sc_bundles>
// kernel: _sc_gather.3.cloned.1.call-start
scs
__scs_entry_jumppad:
0x0: {  	(pc) =	sbr.rel $0x88, $3  }
0x1: {  	(tag) =	ssettag $0x0;
	lr =	simm.s32 $0x1  }
0x2: {  	[smem:$0x3F9F] =	sst lr;
	_ =	strace $0xD0000000  }
0x3: {  	_ = 	snop  }
0x4: {  	_ = 	snop  }
0x5: {  	_ = 	snop  }
0x6: {  	_ = 	snop  }
0x7: {  	_ = 	snop  }
__scs_overlays_trampoline_lowered:
0x8: {  	[smem:$0x3FAE] =	sst s0  }
0x9: {  	[smem:$0x3FAF] =	sst s1  }
0xa: {  	[smem:$0x3FB0] =	sst s2  }
0xb: {  	[smem:$0x3FB1] =	sst s3  }
0xc: {  	[smem:$0x3FB2] =	sst s4  }
0xd: {  	[smem:$0x3FB3] =	sst s5  }
0xe: {  	[smem:$0x3FB4] =	sst s6  }
0xf: {  	[smem:$0x3FB5] =	sst s7  }
0x10: {  	[smem:$0x3FB6] =	sst s8  }
0x11: {  	[smem:$0x3FB7] =	sst s9;
	s0 =	simm.s32 @!p0 $0x0  }
0x12: {  	s1 =	sld [smem:$0x3F9D];
	s0 =	simm.s32 @p0 $0x1  }
0x13: {  	[smem:$0x3FB8] =	sst s0;
	s0 =	simm.s32 @!p1 $0x0  }
0x14: {  	s2 =	sld [smem:$0x3F9C];
	s0 =	simm.s32 @p1 $0x1  }
0x15: {  	[smem:$0x3FB9] =	sst s0;
	s0 =	simm.s32 @!p2 $0x0  }
0x16: {  	s3 =	sld [smem:$0x3FDB];
	s0 =	simm.s32 @p2 $0x1  }
0x17: {  	s4 =	simm.s32 $0x1BF5;
	[smem:$0x3FBB] =	sst s0  }
0x18: {  	s0 =	sld [smem:$0x3F9E];
	_ =	swait.ge [sflag:s4], $0x0  }
0x19: {  	s7 =	sld [smem:$0x3F9F]  }
0x1a: {  	s8 =	sadd.s32 $0xFFFFE003, lr  }
0x1b: {  	s9 =	sadd.s32 $0xFFFFFEF7, lr;
	s5 =	simm.s32 $0xFFFFFFFF;
	p2 =	slt.u32 s8, $0xFFFFF086  }
0x1c: {  	p1 =	slt.u32 s9, $0xF7A;
	s5 =	simm.s32 @!p2 $0x0  }
0x1d: {  	s5 =	simm.s32 @p1 $0x1;
	p0 =	seq.s32 s7, s2  }
0x1e: {  	s7 =	smul.u32 @!p0 $0xF7A, s2;
	p2 =	seq.s32 @!p0 s5, $0x0  }
0x1f: {  	s9 =	smul.u32 $0xF7A, s1;
	s8 =	simm.s32 @!p0 $0x1BF5;
	p2 =	por !p2, p0  }
0x20: {  	[sflag:s8] =	ssyncset.s32 @!p0 $0xFFFFF086;
	s6 =	sadd.s32 @!p0 s3, s7;
	s7 =	simm.s32 @!p0 $0x108  }
0x21: {  	s3 =	sadd.s32 s3, s9;
	s6 =	sadd.s32 @!p0 $0x88, s6;
	s7 =	simm.s32 @p2 $0x1082  }
0x22: {  	[simem:s7], [sflag:s8] =	dma.local @!p0 [hbm:s6], $0xF7A  }
0x23: {  	s9 =	sor.u32 $0xD0000000, s2;
	s6 =	simm.s32 $0x108;
	_ =	swait.ge @!p0 [sflag:s8], $0x0  }
0x24: {  	s3 =	sadd.s32 $0x88, s3;
	s6 =	simm.s32 @!p1 $0x1082;
	[sflag:s4] =	ssyncset.s32 $0xFFFFF086  }
0x25: {  	[simem:s6], [sflag:s4] =	dma.local [hbm:s3], $0xF7A  }
0x26: {  	[smem:$0x3F9F] =	sst s1;
	(tag) =	ssettag s2;
	_ =	strace s9  }
0x27: {  	s1 =	sld [smem:$0x3FAF]  }
0x28: {  	s2 =	sld [smem:$0x3FB0]  }
0x29: {  	s4 =	sld [smem:$0x3FB2]  }
0x2a: {  	p0 =	seq.s32 s5, $0x0;
	s5 =	sld [smem:$0x3FB3]  }
0x2b: {  	s6 =	sld [smem:$0x3FB4]  }
0x2c: {  	s7 =	sld [smem:$0x3FB5]  }
0x2d: {  	s3 =	simm.s32 $0x108;
	s8 =	sld [smem:$0x3FB6]  }
0x2e: {  	s3 =	simm.s32 @!p0 $0x1082;
	s9 =	sld [smem:$0x3FB7]  }
0x2f: {  	lr =	sadd.s32 s0, s3;
	s0 =	sld [smem:$0x3FAE]  }
0x30: {  	s3 =	sld [smem:$0x3FB1]  }
0x31: {  	[smem:$0x3FBA] =	sst s10  }
0x32: {  	s10 =	sld [smem:$0x3FB8];
	_ =	sdelay $0x3  }
0x33: {  	p0 =	seq.s32 s10, $0x1;
	s10 =	sld [smem:$0x3FBA];
	_ =	sdelay $0x3  }
0x34: {  	[smem:$0x3FBA] =	sst s10  }
0x35: {  	s10 =	sld [smem:$0x3FB9];
	_ =	sdelay $0x3  }
0x36: {  	p1 =	seq.s32 s10, $0x1;
	s10 =	sld [smem:$0x3FBA];
	_ =	sdelay $0x3  }
0x37: {  	[smem:$0x3FBA] =	sst s10  }
0x38: {  	s10 =	sld [smem:$0x3FBB]  }
0x39: {  	_ = 	snop;
	(pc) =	sbr.ind lr, $3  }
0x3a: {  	_ = 	snop  }
0x3b: {  	_ = 	snop  }
0x3c: {  	p2 =	seq.s32 s10, $0x1;
	s10 =	sld [smem:$0x3FBA]  }
0x3d: {  	_ =	shalt  }
0x3e: {  	_ =	shalt  }
0x3f: {  	_ =	shalt  }
0x40: {  	_ =	shalt  }
0x41: {  	_ =	shalt  }
0x42: {  	_ =	shalt  }
0x43: {  	_ =	shalt  }
0x44: {  	_ =	shalt  }
0x45: {  	_ =	shalt  }
0x46: {  	_ =	shalt  }
0x47: {  	_ =	shalt  }
0x48: {  	_ =	shalt  }
0x49: {  	_ =	shalt  }
0x4a: {  	_ =	shalt  }
0x4b: {  	_ =	shalt  }
0x4c: {  	_ =	shalt  }
0x4d: {  	_ =	shalt  }
0x4e: {  	_ =	shalt  }
0x4f: {  	_ =	shalt  }
0x50: {  	_ =	shalt  }
0x51: {  	_ =	shalt  }
0x52: {  	_ =	shalt  }
0x53: {  	_ =	shalt  }
0x54: {  	_ =	shalt  }
0x55: {  	_ =	shalt  }
0x56: {  	_ =	shalt  }
0x57: {  	_ =	shalt  }
0x58: {  	_ =	shalt  }
0x59: {  	_ =	shalt  }
0x5a: {  	_ =	shalt  }
0x5b: {  	_ =	shalt  }
0x5c: {  	_ =	shalt  }
0x5d: {  	_ =	shalt  }
0x5e: {  	_ =	shalt  }
0x5f: {  	_ =	shalt  }
0x60: {  	_ =	shalt  }
0x61: {  	_ =	shalt  }
0x62: {  	_ =	shalt  }
0x63: {  	_ =	shalt  }
0x64: {  	_ =	shalt  }
0x65: {  	_ =	shalt  }
0x66: {  	_ =	shalt  }
0x67: {  	_ =	shalt  }
0x68: {  	_ =	shalt  }
0x69: {  	_ =	shalt  }
0x6a: {  	_ =	shalt  }
0x6b: {  	_ =	shalt  }
0x6c: {  	_ =	shalt  }
0x6d: {  	_ =	shalt  }
0x6e: {  	_ =	shalt  }
0x6f: {  	_ =	shalt  }
0x70: {  	_ =	shalt  }
0x71: {  	_ =	shalt  }
0x72: {  	_ =	shalt  }
0x73: {  	_ =	shalt  }
0x74: {  	_ =	shalt  }
0x75: {  	_ =	shalt  }
0x76: {  	_ =	shalt  }
0x77: {  	_ =	shalt  }
0x78: {  	_ =	shalt  }
0x79: {  	_ =	shalt  }
0x7a: {  	_ =	shalt  }
0x7b: {  	_ =	shalt  }
0x7c: {  	_ =	shalt  }
0x7d: {  	_ =	shalt  }
0x7e: {  	_ =	shalt  }
0x7f: {  	_ =	shalt  }
0x80: {  	_ =	shalt  }
0x81: {  	_ =	shalt  }
0x82: {  	_ =	shalt  }
0x83: {  	_ =	shalt  }
0x84: {  	_ =	shalt  }
0x85: {  	_ =	shalt  }
0x86: {  	_ =	shalt  }
0x87: {  	_ =	shalt  }
.Lfunc_end0:
.L_simem_size_0:
called_computation_lowered:
.L_overlay_start_0:
0x88: {  	s2 =	sld [smem:$0x3FD9]  }
0x89: {  	s3 =	sld [smem:$0x3FFE];
	_ =	sdelay $0x1  }
0x8a: {  	s1 =	srdreg.scid  }
0x8b: {  	s0 =	sand.u32 $0x1, s1  }
0x8c: {  	s17 =	sshll.u32 s0, $0xA;
	s2 =	sadd.s32 s3, s2  }
0x8d: {  	s2 =	sadd.s32 s2, s17  }
0x8e: {  	[smem:$0x3FC6] =	sst s2  }
0x8f: {  	_ = 	snop  }
0x90: {  	s2 =	sld [smem:$0x3FC9]  }
0x91: {  	s18 =	sld [smem:$0x3FD0];
	(tm) =	ssettm $0x1  }
0x92: {  	s4 =	sld [smem:$0x3FFB];
	_ =	sdelay $0x3  }
0x93: {  	_ =	strace s4  }
0x94: {  	s4 =	sld [smem:$0x3FFC];
	_ =	sdelay $0x3  }
0x95: {  	_ =	strace s4  }
0x96: {  	s4 =	sld [smem:$0x3FFD];
	_ =	sdelay $0x3  }
0x97: {  	_ =	strace s4  }
0x98: {  	_ =	strace $0x8FFFFFFF  }
0x99: {  	s19 =	sld [smem:$0x3FDB];
	_ =	sdelay $0x1  }
0x9a: {  	s5 =	simm.s32 $_scs_section_size  }
0x9b: {  	s6 =	simm.s32 $_size__tile_overlayer_lowered;
	s7 =	simm.s32 $_tile_overlayer_lowered  }
0x9c: {  	s22 =	simm.s32 $0x1BFF;
	s21 =	sshll.u32 s7, $0x1;
	s4 =	sadd.s32 s5, s19  }
0x9d: {  	s8 =	simm.s32 $0x0;
	s20 =	sshll.u32 s6, $0x1;
	s6 =	sadd.s32 s21, s4  }
0x9e: {  	[timem:s8], [sflag:s22] =	dma.local [hbm:s6], s20  }
0x9f: {  	_ =	swait.ge [sflag:s22], s20  }
0xa0: {  	s5 =	ssub.s32 $0x0, s20;
	[sflag:s22] =	ssyncset.done $0x0  }
0xa1: {  	[sflag:s22] =	ssyncadd.s32 s5;
	_ =	sdelay $0x1  }
0xa2: {  	s23 =	simm.s32 $0x1B8B  }
0xa3: {  	_ =	swait.ge [sflag:s23], $0x1  }
0xa4: {  	[sflag:s23] =	ssyncset.done $0x0  }
0xa5: {  	s25 =	simm.s32 $0x1B8E;
	s24 =	sld [smem:$0x3FFE];
	[sflag:s23] =	ssyncadd.s32 $0xFFFFFFFF  }
0xa6: {  	s26 =	simm.s32 $execute0_lowered;
	[smem:$0x3FD2] =	sst s25  }
0xa7: {  	s6 =	sshll.u32 s26, $0x1;
	_ =	strace $0x80000046;
	[dreg:$0x1] =	wrdreg $0xFFFFFFFF  }
0xa8: {  	s28 =	simm.s32 $_size_execute0_lowered;
	s4 =	sadd.s32 s4, s6;
	[dreg:$0x0] =	wrdreg $0x0  }
0xa9: {  	s6 =	sshll.u32 s28, $0x1;
	[dreg:$0x2] =	wrdreg s4  }
0xaa: {  	[dreg:$0x3] =	wrdreg s6  }
0xab: {  	[dreg:$0x4] =	wrdreg $0xC0  }
0xac: {  	_ =	task [dreg:s8], $0x5FFFF  }
0xad: {  	[dreg:$0x1] =	wrdreg $0xFFFFFFFF  }
0xae: {  	[dreg:$0x0] =	wrdreg $0x60  }
0xaf: {  	[dreg:$0x2] =	wrdreg s2  }
0xb0: {  	[dreg:$0x3] =	wrdreg s24  }
0xb1: {  	[dreg:$0x4] =	wrdreg s18  }
0xb2: {  	[dreg:$0x5] =	wrdreg $0x9  }
0xb3: {  	_ =	task.clear_ibuf [dreg:s8], $0x6FFFF;
	_ =	strace $0x90000046  }
0xb4: {  	s29 =	simm.s32 $0x9;
	_ =	strace $0x80000048  }
0xb5: {  	_ =	swait.ge [sflag:s29], $0x1  }
0xb6: {  	[sflag:s29] =	ssyncadd.s32 $0xFFFFFFFF  }
0xb7: {  	_ =	strace $0x90000048  }
0xb8: {  	_ =	sfence  }
0xb9: {  	s30 =	sld [smem:$0x0];
	_ =	sdelay $0x2  }
0xba: {  	s31 =	sshll.u32 s1, $0xD;
	s1 =	sshrl.u32 s1, $0x2  }
0xbb: {  	s3 =	sand.u32 $0x4000, s31;
	s1 =	sadd.s32 s1, s30  }
0xbc: {  	s0 =	sor.u32 s3, s0;
	s1 =	sshll.u32 s1, $0x11  }
0xbd: {  	s0 =	sor.u32 s1, s0  }
0xbe: {  	s0 =	sadd.s32 $0x8F2B, s0  }
0xbf: {  	[sflag:s0] =	ssyncadd.remote.s32 $0x1  }
0xc0: {  	_ =	sfence.sel $0xFFFF  }
0xc1: {  	[dreg:$0x0] =	wrdreg $0xFFFFFFFF;
	(pc) =	sbr.abs _section_cstart, $3  }
0xc2: {  	[dreg:$0x1] =	wrdreg $0xFFFFFFFF  }
0xc3: {  	_ =	task.clear_ibuf [dreg:s8], $0x2FFFF;
	_ =	strace $0x9FFFFFFF  }
0xc4: {  	(tm) =	ssettm $0x7FFFFFFF  }
0xc5: {  	_ =	shalt  }
tec
execute0_lowered:
.L_overlay_start_1:
0x0: {  	(tag) =	ssettag $0x1  }
0x1: {  	s1 =	rddreg [dreg:$0x0]  }
0x2: {  	s0 =	srdreg.scid;
	s4 =	rddreg [dreg:$0x1]  }
0x3: {  	s9 =	stileid.u32;
	s5 =	rddreg [dreg:$0x2]  }
0x4: {  	s3 =	simm.s32 $0x0;
	s18 =	simm.s32 $0x7400;
	s12 =	simm.s32 $0xF400  }
0x5: {  	s21 =	simm.s32 $0x13400;
	s22 =	simm.s32 $0x13C00;
	s28 =	simm.s32 $0x15C00  }
0x6: {  	s29 =	simm.s32 $0x16400;
	s30 =	simm.s32 $0x16C00;
	s31 =	simm.s32 $0x1  }
0x7: {  	s11 =	simm.s32 $0x7;
	s13 =	simm.s32 $0x3;
	s14 =	simm.s32 $0x8  }
0x8: {  	s15 =	simm.s32 $0x4;
	s16 =	simm.s32 $0x9;
	s6 =	smul.u32 $0xC8, s9  }
0x9: {  	s17 =	simm.s32 $0x5;
	s0 =	sand.u32 $0x1, s0;
	s24 =	smul.u32 $0x64000, s9  }
0xa: {  	s2 =	sshll.u32 s9, $0x1;
	[smem:$0x7FF] =	sst s3;
	s8 =	smul.u32 $0x64, s0  }
0xb: {  	s2 =	sor.u32 s0, s2;
	s7 =	ssub.s32 $0x2, s0;
	s0 =	smul.u32 $0x32000, s0  }
0xc: {  	s19 =	simm.s32 $0xA;
	_ =	strace $0x80000047;
	s2 =	smul.u32 $0x680, s2  }
0xd: {  	s23 =	sshrl.u32 s7, $0x1;
	s26 =	sadd.s32 s24, s5;
	s24 =	simm.s32 $0x14C00  }
0xe: {  	s6 =	sadd.s32 s8, s6;
	s2 =	sadd.s32 s2, s4;
	s4 =	ssub.s32 s7, s23  }
.Ltmp0:
0xf: {  	s25 =	sshll.u32 s6, $0xB;
	s7 =	sadd.s32 s0, s26;
	(pc) =	sbr.rel .LBB2_1-.Ltmp0, $4  }
0x10: {  	s26 =	simm.s32 $0xB400;
	s23 =	simm.s32 $0x14400;
	s0 =	simm.s32 $0x2  }
0x11: {  	v2 =	vlaneseq.u32;
	s2 =	sadd.s32 $0x400, s2;
	s4 =	smax.u32 s4, $0x1;
	s6 =	sadd.s32 s25, s5  }
0x12: {  	vm0 =	vmmov $0xffff;
	v1 =	vshrl.u32 v2, $0x3;
	s25 =	simm.s32 $0x15400;
	s5 =	simm.s32 $0x0;
	[dreg:$0x4] =	wrdreg s2  }
0x13: {  	v0 =	vand.u32 $0x7, v2;
	v2 =	vor.u32 $0x8, v2;
	v1 =	vmul.u32 $0x8, v1;
	[dreg:$0x5] =	wrdreg s4;
	s8 =	sadd.s32 $0x2000, s6;
	s2 =	simm.s32 $0x6  }
.LBB2_4:
0x14: {  	s5 =	rddreg [dreg:$0x6]  }
0x15: {  	s4 =	rddreg [dreg:$0x5];
	s5 =	sadd.s32 $0x1, s5  }
0x16: {  	p0 =	sne.s32 s5, s4  }
.Ltmp1:
0x17: {  	_ = 	snop;
	(pc) =	sbr.rel @!p0 .LBB2_5-.Ltmp1, $1  }
0x18: {  	_ =	sdelay $0x3  }
.LBB2_1:
0x19: {  	[dreg:$0x6] =	wrdreg s5  }
0x1a: {  	s4 =	rddreg [dreg:$0x4];
	s10 =	simm.s32 $0xB  }
0x1b: {  	[tilespmem:s3], [sflag:$0xB] =	stream.linear.gather [hbm4b:s4+s3], $0x3200, $0x38;
	[tilespmem:$0x17400] =	vst v63  }
0x1c: {  	_ =	swait.ge [sflag:s10], $0x3200  }
0x1d: {  	[sflag:s10] =	ssyncset.done $0x0  }
0x1e: {  	[sflag:s10] =	ssyncadd.s32 $0xFFFFCE00  }
0x1f: {  	v3 =	vld [tilespmem:$0x0];
	_ =	sdelay $0x4  }
0x20: {  	v4 =	vshll.u32 v3, $0x1  }
0x21: {  	v3 =	vand.u32 $0x7, v3;
	v4 =	vand.u32 $0xFFFFFFF0, v4  }
0x22: {  	v3 =	vor.u32 v3, v4  }
0x23: {  	v4 =	vperm.xlane v3, v0;
	_ =	sdelay $0x1  }
0x24: {  	v3 =	vperm.xlane v3, v2;
	v4 =	vadd.s32 v1, v4;
	_ =	sdelay $0x1  }
0x25: {  	v3 =	vadd.s32 v1, v3;
	_ =	sdelay $0x1  }
0x26: {  	s20 =	simm.s32 $0x3400  }
0x27: {  	[tilespmem:s20], [sflag:$0x1] =	stream.indirect_vreg.gather [hbm4b:s1+s3], $0x80, v4, vm0, $0xb8;
	[tilespmem:$0x17400] =	vst v63  }
0x28: {  	s5 =	simm.s32 $0x3C00  }
0x29: {  	[tilespmem:s5], [sflag:$0x1] =	stream.indirect_vreg.gather [hbm4b:s1+s3], $0x80, v3, vm0, $0xb8;
	[tilespmem:$0x17400] =	vst v63  }
0x2a: {  	v3 =	vld [tilespmem:$0x10];
	_ =	sdelay $0x4  }
0x2b: {  	v45 =	vshll.u32 v3, $0x1  }
0x2c: {  	v3 =	vand.u32 $0x7, v3;
	v4 =	vand.u32 $0xFFFFFFF0, v45  }
0x2d: {  	v3 =	vor.u32 v3, v4  }
0x2e: {  	v4 =	vperm.xlane v3, v0;
	_ =	sdelay $0x1  }
0x2f: {  	v3 =	vperm.xlane v3, v2;
	v4 =	vadd.s32 v1, v4;
	_ =	sdelay $0x1  }
0x30: {  	v3 =	vadd.s32 v1, v3;
	_ =	sdelay $0x1  }
0x31: {  	s9 =	simm.s32 $0x4400  }
0x32: {  	[tilespmem:s9], [sflag:$0x1] =	stream.indirect_vreg.gather [hbm4b:s1+s3], $0x80, v4, vm0, $0xb8;
	[tilespmem:$0x17400] =	vst v63  }
0x33: {  	s10 =	simm.s32 $0x4C00  }
0x34: {  	[tilespmem:s10], [sflag:$0x1] =	stream.indirect_vreg.gather [hbm4b:s1+s3], $0x80, v3, vm0, $0xb8;
	[tilespmem:$0x17400] =	vst v63  }
0x35: {  	v3 =	vld [tilespmem:$0x20];
	_ =	sdelay $0x4  }
0x36: {  	v46 =	vshll.u32 v3, $0x1  }
0x37: {  	v3 =	vand.u32 $0x7, v3;
	v4 =	vand.u32 $0xFFFFFFF0, v46  }
0x38: {  	v3 =	vor.u32 v3, v4  }
0x39: {  	v4 =	vperm.xlane v3, v0;
	_ =	sdelay $0x1  }
0x3a: {  	v3 =	vperm.xlane v3, v2;
	v4 =	vadd.s32 v1, v4;
	_ =	sdelay $0x1  }
0x3b: {  	v3 =	vadd.s32 v1, v3;
	_ =	sdelay $0x1  }
0x3c: {  	s20 =	simm.s32 $0x5400  }
0x3d: {  	[tilespmem:s20], [sflag:$0x1] =	stream.indirect_vreg.gather [hbm4b:s1+s3], $0x80, v4, vm0, $0xb8;
	[tilespmem:$0x17400] =	vst v63  }
0x3e: {  	s5 =	simm.s32 $0x5C00  }
0x3f: {  	[tilespmem:s5], [sflag:$0x1] =	stream.indirect_vreg.gather [hbm4b:s1+s3], $0x80, v3, vm0, $0xb8;
	[tilespmem:$0x17400] =	vst v63  }
0x40: {  	v3 =	vld [tilespmem:$0x30];
	_ =	sdelay $0x4  }
0x41: {  	v47 =	vshll.u32 v3, $0x1  }
0x42: {  	v3 =	vand.u32 $0x7, v3;
	v4 =	vand.u32 $0xFFFFFFF0, v47  }
0x43: {  	v3 =	vor.u32 v3, v4  }
0x44: {  	v4 =	vperm.xlane v3, v0;
	_ =	sdelay $0x1  }
0x45: {  	v3 =	vperm.xlane v3, v2;
	v4 =	vadd.s32 v1, v4;
	_ =	sdelay $0x1  }
0x46: {  	v3 =	vadd.s32 v1, v3;
	_ =	sdelay $0x1  }
0x47: {  	s9 =	simm.s32 $0x6400  }
0x48: {  	[tilespmem:s9], [sflag:$0x1] =	stream.indirect_vreg.gather [hbm4b:s1+s3], $0x80, v4, vm0, $0xb8;
	[tilespmem:$0x17400] =	vst v63  }
0x49: {  	s10 =	simm.s32 $0x6C00  }
0x4a: {  	[tilespmem:s10], [sflag:$0x1] =	stream.indirect_vreg.gather [hbm4b:s1+s3], $0x80, v3, vm0, $0xb8;
	[tilespmem:$0x17400] =	vst v63  }
0x4b: {  	v3 =	vld [tilespmem:$0x80];
	_ =	sdelay $0x4  }
0x4c: {  	v48 =	vshll.u32 v3, $0x1  }
0x4d: {  	v3 =	vand.u32 $0x7, v3;
	v4 =	vand.u32 $0xFFFFFFF0, v48  }
0x4e: {  	v3 =	vor.u32 v3, v4  }
0x4f: {  	v4 =	vperm.xlane v3, v0;
	_ =	sdelay $0x1  }
0x50: {  	v3 =	vperm.xlane v3, v2;
	v4 =	vadd.s32 v1, v4;
	_ =	sdelay $0x1  }
0x51: {  	v3 =	vadd.s32 v1, v3;
	_ =	sdelay $0x2  }
0x52: {  	[tilespmem:s18], [sflag:$0x2] =	stream.indirect_vreg.gather [hbm4b:s1+s3], $0x80, v4, vm0, $0xb8;
	[tilespmem:$0x17400] =	vst v63  }
0x53: {  	s20 =	simm.s32 $0x7C00  }
0x54: {  	[tilespmem:s20], [sflag:$0x2] =	stream.indirect_vreg.gather [hbm4b:s1+s3], $0x80, v3, vm0, $0xb8;
	[tilespmem:$0x17400] =	vst v63  }
0x55: {  	v3 =	vld [tilespmem:$0x90];
	_ =	sdelay $0x4  }
0x56: {  	v49 =	vshll.u32 v3, $0x1  }
0x57: {  	v3 =	vand.u32 $0x7, v3;
	v4 =	vand.u32 $0xFFFFFFF0, v49  }
0x58: {  	v3 =	vor.u32 v3, v4  }
0x59: {  	v4 =	vperm.xlane v3, v0;
	_ =	sdelay $0x1  }
0x5a: {  	v3 =	vperm.xlane v3, v2;
	v4 =	vadd.s32 v1, v4;
	_ =	sdelay $0x1  }
0x5b: {  	v3 =	vadd.s32 v1, v3;
	_ =	sdelay $0x1  }
0x5c: {  	s5 =	simm.s32 $0x8400  }
0x5d: {  	[tilespmem:s5], [sflag:$0x2] =	stream.indirect_vreg.gather [hbm4b:s1+s3], $0x80, v4, vm0, $0xb8;
	[tilespmem:$0x17400] =	vst v63  }
0x5e: {  	s9 =	simm.s32 $0x8C00  }
0x5f: {  	[tilespmem:s9], [sflag:$0x2] =	stream.indirect_vreg.gather [hbm4b:s1+s3], $0x80, v3, vm0, $0xb8;
	[tilespmem:$0x17400] =	vst v63  }
0x60: {  	v3 =	vld [tilespmem:$0xA0];
	_ =	sdelay $0x4  }
0x61: {  	v50 =	vshll.u32 v3, $0x1  }
0x62: {  	v3 =	vand.u32 $0x7, v3;
	v4 =	vand.u32 $0xFFFFFFF0, v50  }
0x63: {  	v3 =	vor.u32 v3, v4  }
0x64: {  	v4 =	vperm.xlane v3, v0;
	_ =	sdelay $0x1  }
0x65: {  	v3 =	vperm.xlane v3, v2;
	v4 =	vadd.s32 v1, v4;
	_ =	sdelay $0x1  }
0x66: {  	v3 =	vadd.s32 v1, v3;
	_ =	sdelay $0x1  }
0x67: {  	s10 =	simm.s32 $0x9400  }
0x68: {  	[tilespmem:s10], [sflag:$0x2] =	stream.indirect_vreg.gather [hbm4b:s1+s3], $0x80, v4, vm0, $0xb8;
	[tilespmem:$0x17400] =	vst v63  }
0x69: {  	s20 =	simm.s32 $0x9C00  }
0x6a: {  	[tilespmem:s20], [sflag:$0x2] =	stream.indirect_vreg.gather [hbm4b:s1+s3], $0x80, v3, vm0, $0xb8;
	[tilespmem:$0x17400] =	vst v63  }
0x6b: {  	v3 =	vld [tilespmem:$0xB0];
	_ =	sdelay $0x4  }
0x6c: {  	v51 =	vshll.u32 v3, $0x1  }
0x6d: {  	v3 =	vand.u32 $0x7, v3;
	v4 =	vand.u32 $0xFFFFFFF0, v51  }
0x6e: {  	v3 =	vor.u32 v3, v4  }
0x6f: {  	v4 =	vperm.xlane v3, v0;
	_ =	sdelay $0x1  }
0x70: {  	v3 =	vperm.xlane v3, v2;
	v4 =	vadd.s32 v1, v4;
	_ =	sdelay $0x1  }
0x71: {  	v3 =	vadd.s32 v1, v3;
	_ =	sdelay $0x1  }
0x72: {  	s5 =	simm.s32 $0xA400  }
0x73: {  	[tilespmem:s5], [sflag:$0x2] =	stream.indirect_vreg.gather [hbm4b:s1+s3], $0x80, v4, vm0, $0xb8;
	[tilespmem:$0x17400] =	vst v63  }
0x74: {  	s9 =	simm.s32 $0xAC00  }
0x75: {  	[tilespmem:s9], [sflag:$0x2] =	stream.indirect_vreg.gather [hbm4b:s1+s3], $0x80, v3, vm0, $0xb8;
	[tilespmem:$0x17400] =	vst v63  }
0x76: {  	v3 =	vld [tilespmem:$0x100];
	_ =	sdelay $0x4  }
0x77: {  	v52 =	vshll.u32 v3, $0x1  }
0x78: {  	v3 =	vand.u32 $0x7, v3;
	v4 =	vand.u32 $0xFFFFFFF0, v52  }
0x79: {  	v3 =	vor.u32 v3, v4  }
0x7a: {  	v4 =	vperm.xlane v3, v0;
	_ =	sdelay $0x1  }
0x7b: {  	v3 =	vperm.xlane v3, v2;
	v4 =	vadd.s32 v1, v4;
	_ =	sdelay $0x1  }
0x7c: {  	v3 =	vadd.s32 v1, v3;
	_ =	sdelay $0x2  }
0x7d: {  	[tilespmem:s26], [sflag:$0x3] =	stream.indirect_vreg.gather [hbm4b:s1+s3], $0x80, v4, vm0, $0xb8;
	[tilespmem:$0x17400] =	vst v63  }
0x7e: {  	s10 =	simm.s32 $0xBC00  }
0x7f: {  	[tilespmem:s10], [sflag:$0x3] =	stream.indirect_vreg.gather [hbm4b:s1+s3], $0x80, v3, vm0, $0xb8;
	[tilespmem:$0x17400] =	vst v63  }
0x80: {  	v3 =	vld [tilespmem:$0x110];
	_ =	sdelay $0x4  }
0x81: {  	v53 =	vshll.u32 v3, $0x1  }
0x82: {  	v3 =	vand.u32 $0x7, v3;
	v4 =	vand.u32 $0xFFFFFFF0, v53  }
0x83: {  	v3 =	vor.u32 v3, v4  }
0x84: {  	v4 =	vperm.xlane v3, v0;
	_ =	sdelay $0x1  }
0x85: {  	v3 =	vperm.xlane v3, v2;
	v4 =	vadd.s32 v1, v4;
	_ =	sdelay $0x1  }
0x86: {  	v3 =	vadd.s32 v1, v3;
	_ =	sdelay $0x1  }
0x87: {  	s20 =	simm.s32 $0xC400  }
0x88: {  	[tilespmem:s20], [sflag:$0x3] =	stream.indirect_vreg.gather [hbm4b:s1+s3], $0x80, v4, vm0, $0xb8;
	[tilespmem:$0x17400] =	vst v63  }
0x89: {  	s5 =	simm.s32 $0xCC00  }
0x8a: {  	[tilespmem:s5], [sflag:$0x3] =	stream.indirect_vreg.gather [hbm4b:s1+s3], $0x80, v3, vm0, $0xb8;
	[tilespmem:$0x17400] =	vst v63  }
0x8b: {  	v3 =	vld [tilespmem:$0x120];
	_ =	sdelay $0x4  }
0x8c: {  	v54 =	vshll.u32 v3, $0x1  }
0x8d: {  	v3 =	vand.u32 $0x7, v3;
	v4 =	vand.u32 $0xFFFFFFF0, v54  }
0x8e: {  	v3 =	vor.u32 v3, v4  }
0x8f: {  	v4 =	vperm.xlane v3, v0;
	_ =	sdelay $0x1  }
0x90: {  	v3 =	vperm.xlane v3, v2;
	v4 =	vadd.s32 v1, v4;
	_ =	sdelay $0x1  }
0x91: {  	v3 =	vadd.s32 v1, v3;
	_ =	sdelay $0x1  }
0x92: {  	s9 =	simm.s32 $0xD400  }
0x93: {  	[tilespmem:s9], [sflag:$0x3] =	stream.indirect_vreg.gather [hbm4b:s1+s3], $0x80, v4, vm0, $0xb8;
	[tilespmem:$0x17400] =	vst v63  }
0x94: {  	s10 =	simm.s32 $0xDC00  }
0x95: {  	[tilespmem:s10], [sflag:$0x3] =	stream.indirect_vreg.gather [hbm4b:s1+s3], $0x80, v3, vm0, $0xb8;
	[tilespmem:$0x17400] =	vst v63  }
0x96: {  	v3 =	vld [tilespmem:$0x130];
	_ =	sdelay $0x4  }
0x97: {  	v55 =	vshll.u32 v3, $0x1  }
0x98: {  	v3 =	vand.u32 $0x7, v3;
	v4 =	vand.u32 $0xFFFFFFF0, v55  }
0x99: {  	v3 =	vor.u32 v3, v4  }
0x9a: {  	v4 =	vperm.xlane v3, v0;
	_ =	sdelay $0x1  }
0x9b: {  	v3 =	vperm.xlane v3, v2;
	v4 =	vadd.s32 v1, v4;
	_ =	sdelay $0x1  }
0x9c: {  	v3 =	vadd.s32 v1, v3;
	_ =	sdelay $0x1  }
0x9d: {  	s20 =	simm.s32 $0xE400  }
0x9e: {  	[tilespmem:s20], [sflag:$0x3] =	stream.indirect_vreg.gather [hbm4b:s1+s3], $0x80, v4, vm0, $0xb8;
	[tilespmem:$0x17400] =	vst v63  }
0x9f: {  	s5 =	simm.s32 $0xEC00  }
0xa0: {  	[tilespmem:s5], [sflag:$0x3] =	stream.indirect_vreg.gather [hbm4b:s1+s3], $0x80, v3, vm0, $0xb8;
	[tilespmem:$0x17400] =	vst v63  }
0xa1: {  	v3 =	vld [tilespmem:$0x180];
	_ =	sdelay $0x4  }
0xa2: {  	v56 =	vshll.u32 v3, $0x1  }
0xa3: {  	v3 =	vand.u32 $0x7, v3;
	v4 =	vand.u32 $0xFFFFFFF0, v56  }
0xa4: {  	v3 =	vor.u32 v3, v4  }
0xa5: {  	v4 =	vperm.xlane v3, v0;
	_ =	sdelay $0x1  }
0xa6: {  	v3 =	vperm.xlane v3, v2;
	v4 =	vadd.s32 v1, v4;
	_ =	sdelay $0x1  }
0xa7: {  	v3 =	vadd.s32 v1, v3;
	_ =	sdelay $0x2  }
0xa8: {  	[tilespmem:s12], [sflag:$0x4] =	stream.indirect_vreg.gather [hbm4b:s1+s3], $0x80, v4, vm0, $0xb8;
	[tilespmem:$0x17400] =	vst v63  }
0xa9: {  	s9 =	simm.s32 $0xFC00  }
0xaa: {  	[tilespmem:s9], [sflag:$0x4] =	stream.indirect_vreg.gather [hbm4b:s1+s3], $0x80, v3, vm0, $0xb8;
	[tilespmem:$0x17400] =	vst v63  }
0xab: {  	v3 =	vld [tilespmem:$0x190];
	_ =	sdelay $0x4  }
0xac: {  	v57 =	vshll.u32 v3, $0x1  }
0xad: {  	v3 =	vand.u32 $0x7, v3;
	v4 =	vand.u32 $0xFFFFFFF0, v57  }
0xae: {  	v3 =	vor.u32 v3, v4  }
0xaf: {  	v4 =	vperm.xlane v3, v0;
	_ =	sdelay $0x1  }
0xb0: {  	v3 =	vperm.xlane v3, v2;
	v4 =	vadd.s32 v1, v4;
	_ =	sdelay $0x1  }
0xb1: {  	v3 =	vadd.s32 v1, v3;
	_ =	sdelay $0x1  }
0xb2: {  	s10 =	simm.s32 $0x10400  }
0xb3: {  	[tilespmem:s10], [sflag:$0x4] =	stream.indirect_vreg.gather [hbm4b:s1+s3], $0x80, v4, vm0, $0xb8;
	[tilespmem:$0x17400] =	vst v63  }
0xb4: {  	s20 =	simm.s32 $0x10C00  }
0xb5: {  	[tilespmem:s20], [sflag:$0x4] =	stream.indirect_vreg.gather [hbm4b:s1+s3], $0x80, v3, vm0, $0xb8;
	[tilespmem:$0x17400] =	vst v63  }
0xb6: {  	v3 =	vld [tilespmem:$0x1A0];
	_ =	sdelay $0x4  }
0xb7: {  	v58 =	vshll.u32 v3, $0x1  }
0xb8: {  	v3 =	vand.u32 $0x7, v3;
	v4 =	vand.u32 $0xFFFFFFF0, v58  }
0xb9: {  	v3 =	vor.u32 v3, v4  }
0xba: {  	v4 =	vperm.xlane v3, v0;
	_ =	sdelay $0x1  }
0xbb: {  	v3 =	vperm.xlane v3, v2;
	v4 =	vadd.s32 v1, v4;
	_ =	sdelay $0x1  }
0xbc: {  	v3 =	vadd.s32 v1, v3;
	_ =	sdelay $0x1  }
0xbd: {  	s5 =	simm.s32 $0x11400  }
0xbe: {  	[tilespmem:s5], [sflag:$0x4] =	stream.indirect_vreg.gather [hbm4b:s1+s3], $0x80, v4, vm0, $0xb8;
	[tilespmem:$0x17400] =	vst v63  }
0xbf: {  	s9 =	simm.s32 $0x11C00  }
0xc0: {  	[tilespmem:s9], [sflag:$0x4] =	stream.indirect_vreg.gather [hbm4b:s1+s3], $0x80, v3, vm0, $0xb8;
	[tilespmem:$0x17400] =	vst v63  }
0xc1: {  	v3 =	vld [tilespmem:$0x1B0];
	_ =	sdelay $0x4  }
0xc2: {  	v59 =	vshll.u32 v3, $0x1  }
0xc3: {  	v3 =	vand.u32 $0x7, v3;
	v4 =	vand.u32 $0xFFFFFFF0, v59  }
0xc4: {  	v3 =	vor.u32 v3, v4  }
0xc5: {  	v4 =	vperm.xlane v3, v0;
	_ =	sdelay $0x1  }
0xc6: {  	v3 =	vperm.xlane v3, v2;
	v4 =	vadd.s32 v1, v4;
	_ =	sdelay $0x1  }
0xc7: {  	v3 =	vadd.s32 v1, v3;
	_ =	sdelay $0x1  }
0xc8: {  	s10 =	simm.s32 $0x12400  }
0xc9: {  	[tilespmem:s10], [sflag:$0x4] =	stream.indirect_vreg.gather [hbm4b:s1+s3], $0x80, v4, vm0, $0xb8;
	[tilespmem:$0x17400] =	vst v63  }
0xca: {  	s20 =	simm.s32 $0x12C00  }
0xcb: {  	[tilespmem:s20], [sflag:$0x4] =	stream.indirect_vreg.gather [hbm4b:s1+s3], $0x80, v3, vm0, $0xb8;
	[tilespmem:$0x17400] =	vst v63  }
0xcc: {  	v3 =	vld [tilespmem:$0x200];
	_ =	sdelay $0x4  }
0xcd: {  	v60 =	vshll.u32 v3, $0x1  }
0xce: {  	v3 =	vand.u32 $0x7, v3;
	v4 =	vand.u32 $0xFFFFFFF0, v60  }
0xcf: {  	v3 =	vor.u32 v3, v4  }
0xd0: {  	v4 =	vperm.xlane v3, v0;
	_ =	sdelay $0x1  }
0xd1: {  	v3 =	vperm.xlane v3, v2;
	v4 =	vadd.s32 v1, v4;
	_ =	sdelay $0x1  }
0xd2: {  	v3 =	vadd.s32 v1, v3;
	_ =	sdelay $0x2  }
0xd3: {  	[tilespmem:s21], [sflag:$0x5] =	stream.indirect_vreg.gather [hbm4b:s1+s3], $0x80, v4, vm0, $0xb8;
	[tilespmem:$0x17400] =	vst v63  }
0xd4: {  	_ = 	snop  }
0xd5: {  	[tilespmem:s22], [sflag:$0x5] =	stream.indirect_vreg.gather [hbm4b:s1+s3], $0x80, v3, vm0, $0xb8;
	[tilespmem:$0x17400] =	vst v63  }
0xd6: {  	v3 =	vld [tilespmem:$0x210];
	_ =	sdelay $0x4  }
0xd7: {  	v61 =	vshll.u32 v3, $0x1  }
0xd8: {  	v3 =	vand.u32 $0x7, v3;
	v4 =	vand.u32 $0xFFFFFFF0, v61  }
0xd9: {  	v3 =	vor.u32 v3, v4  }
0xda: {  	v4 =	vperm.xlane v3, v0;
	_ =	sdelay $0x1  }
0xdb: {  	v3 =	vperm.xlane v3, v2;
	v4 =	vadd.s32 v1, v4;
	_ =	sdelay $0x1  }
0xdc: {  	v3 =	vadd.s32 v1, v3;
	_ =	sdelay $0x2  }
0xdd: {  	[tilespmem:s23], [sflag:$0x5] =	stream.indirect_vreg.gather [hbm4b:s1+s3], $0x80, v4, vm0, $0xb8;
	[tilespmem:$0x17400] =	vst v63  }
0xde: {  	_ = 	snop  }
0xdf: {  	[tilespmem:s24], [sflag:$0x5] =	stream.indirect_vreg.gather [hbm4b:s1+s3], $0x80, v3, vm0, $0xb8;
	[tilespmem:$0x17400] =	vst v63  }
0xe0: {  	v3 =	vld [tilespmem:$0x220];
	_ =	sdelay $0x4  }
0xe1: {  	v62 =	vshll.u32 v3, $0x1  }
0xe2: {  	v3 =	vand.u32 $0x7, v3;
	v4 =	vand.u32 $0xFFFFFFF0, v62  }
0xe3: {  	v3 =	vor.u32 v3, v4  }
0xe4: {  	v4 =	vperm.xlane v3, v0;
	_ =	sdelay $0x1  }
0xe5: {  	v3 =	vperm.xlane v3, v2;
	v4 =	vadd.s32 v1, v4;
	_ =	sdelay $0x1  }
0xe6: {  	v3 =	vadd.s32 v1, v3;
	_ =	sdelay $0x2  }
0xe7: {  	[tilespmem:s25], [sflag:$0x5] =	stream.indirect_vreg.gather [hbm4b:s1+s3], $0x80, v4, vm0, $0xb8;
	[tilespmem:$0x17400] =	vst v63  }
0xe8: {  	_ = 	snop  }
0xe9: {  	[tilespmem:s28], [sflag:$0x5] =	stream.indirect_vreg.gather [hbm4b:s1+s3], $0x80, v3, vm0, $0xb8;
	[tilespmem:$0x17400] =	vst v63  }
0xea: {  	v3 =	vld [tilespmem:$0x230];
	_ =	sdelay $0x4  }
0xeb: {  	v63 =	vshll.u32 v3, $0x1  }
0xec: {  	v3 =	vand.u32 $0x7, v3;
	v4 =	vand.u32 $0xFFFFFFF0, v63  }
0xed: {  	v3 =	vor.u32 v3, v4  }
0xee: {  	v4 =	vperm.xlane v3, v0;
	_ =	sdelay $0x1  }
0xef: {  	v3 =	vperm.xlane v3, v2;
	v4 =	vadd.s32 v1, v4;
	_ =	sdelay $0x1  }
0xf0: {  	v3 =	vadd.s32 v1, v3;
	_ =	sdelay $0x2  }
0xf1: {  	[tilespmem:s29], [sflag:$0x5] =	stream.indirect_vreg.gather [hbm4b:s1+s3], $0x80, v4, vm0, $0xb8;
	[tilespmem:$0x17400] =	vst v63  }
0xf2: {  	s4 =	simm.s32 $0x4B0;
	s5 =	simm.s32 $0x0  }
0xf3: {  	[tilespmem:s30], [sflag:$0x5] =	stream.indirect_vreg.gather [hbm4b:s1+s3], $0x80, v3, vm0, $0xb8;
	[tilespmem:$0x17400] =	vst v63  }
.LBB2_2:
0xf4: {  	_ =	swait.ge [sflag:s31], $0x4000  }
0xf5: {  	[sflag:s31] =	ssyncset.done $0x0  }
0xf6: {  	s9 =	sadd.s32 s5, s7;
	s10 =	simm.s32 $0x3400;
	[sflag:s31] =	ssyncadd.s32 $0xFFFFC000  }
0xf7: {  	[hbm4b:s9+s3] =	stream.linear.scatter [tilespmem:s10], [sflag:$0x6], $0x4000, $0x38;
	[tilespmem:$0x17400] =	vst v63  }
0xf8: {  	_ =	swait.ge [sflag:s2], $0x4000  }
0xf9: {  	[sflag:s2] =	ssyncset.done $0x0  }
0xfa: {  	p0 =	seq.s32 s5, $0x2F800;
	[sflag:s2] =	ssyncadd.s32 $0xFFFFC000  }
0xfb: {  	v3 =	vld @!p0 [tilespmem:s4+$0xFFFFFDD0];
	_ =	sdelay $0x4  }
0xfc: {  	v4 =	vshll.u32 @!p0 v3, $0x1  }
0xfd: {  	v5 =	vlaneseq.u32 @!p0;
	v3 =	vand.u32 @!p0 $0x7, v3;
	v4 =	vand.u32 @!p0 $0xFFFFFFF0, v4  }
0xfe: {  	v6 =	vor.u32 @!p0 v3, v4;
	v3 =	vand.u32 @!p0 $0x7, v5;
	v4 =	vshrl.u32 @!p0 v5, $0x3  }
0xff: {  	v7 =	vperm.xlane @!p0 v6, v3;
	v4 =	vmul.u32 @!p0 $0x8, v4  }
0x100: {  	v5 =	vor.u32 @!p0 $0x8, v5  }
0x101: {  	v6 =	vperm.xlane @!p0 v6, v5;
	v7 =	vadd.s32 @!p0 v4, v7;
	_ =	sdelay $0x1  }
0x102: {  	v6 =	vadd.s32 @!p0 v4, v6;
	_ =	sdelay $0x1  }
0x103: {  	vm1 =	vmmov @!p0 $0xffff;
	s20 =	simm.s32 @!p0 $0x3400;
	s9 =	simm.s32 @!p0 $0x0  }
0x104: {  	[tilespmem:s20], [sflag:$0x1] =	stream.indirect_vreg.gather @!p0 [hbm4b:s1+s9], $0x80, v7, vm1, $0xb8;
	[tilespmem:$0x17400] =	vst v63  }
0x105: {  	s20 =	simm.s32 @!p0 $0x3C00  }
0x106: {  	[tilespmem:s20], [sflag:$0x1] =	stream.indirect_vreg.gather @!p0 [hbm4b:s1+s9], $0x80, v6, vm1, $0xb8;
	[tilespmem:$0x17400] =	vst v63  }
0x107: {  	v6 =	vld @!p0 [tilespmem:s4+$0xFFFFFDE0];
	_ =	sdelay $0x4  }
0x108: {  	v7 =	vshll.u32 @!p0 v6, $0x1  }
0x109: {  	v6 =	vand.u32 @!p0 $0x7, v6;
	v7 =	vand.u32 @!p0 $0xFFFFFFF0, v7  }
0x10a: {  	v6 =	vor.u32 @!p0 v6, v7  }
0x10b: {  	v7 =	vperm.xlane @!p0 v6, v3;
	_ =	sdelay $0x1  }
0x10c: {  	v6 =	vperm.xlane @!p0 v6, v5;
	v7 =	vadd.s32 @!p0 v4, v7;
	_ =	sdelay $0x1  }
0x10d: {  	v6 =	vadd.s32 @!p0 v4, v6;
	_ =	sdelay $0x1  }
0x10e: {  	s20 =	simm.s32 @!p0 $0x4400  }
0x10f: {  	[tilespmem:s20], [sflag:$0x1] =	stream.indirect_vreg.gather @!p0 [hbm4b:s1+s9], $0x80, v7, vm1, $0xb8;
	[tilespmem:$0x17400] =	vst v63  }
0x110: {  	s20 =	simm.s32 @!p0 $0x4C00  }
0x111: {  	[tilespmem:s20], [sflag:$0x1] =	stream.indirect_vreg.gather @!p0 [hbm4b:s1+s9], $0x80, v6, vm1, $0xb8;
	[tilespmem:$0x17400] =	vst v63  }
0x112: {  	v6 =	vld @!p0 [tilespmem:s4+$0xFFFFFDF0];
	_ =	sdelay $0x4  }
0x113: {  	v7 =	vshll.u32 @!p0 v6, $0x1  }
0x114: {  	v6 =	vand.u32 @!p0 $0x7, v6;
	v7 =	vand.u32 @!p0 $0xFFFFFFF0, v7  }
0x115: {  	v6 =	vor.u32 @!p0 v6, v7  }
0x116: {  	v7 =	vperm.xlane @!p0 v6, v3;
	_ =	sdelay $0x1  }
0x117: {  	v6 =	vperm.xlane @!p0 v6, v5;
	v7 =	vadd.s32 @!p0 v4, v7;
	_ =	sdelay $0x1  }
0x118: {  	v6 =	vadd.s32 @!p0 v4, v6;
	_ =	sdelay $0x1  }
0x119: {  	s20 =	simm.s32 @!p0 $0x5400  }
0x11a: {  	[tilespmem:s20], [sflag:$0x1] =	stream.indirect_vreg.gather @!p0 [hbm4b:s1+s9], $0x80, v7, vm1, $0xb8;
	[tilespmem:$0x17400] =	vst v63  }
0x11b: {  	s20 =	simm.s32 @!p0 $0x5C00  }
0x11c: {  	[tilespmem:s20], [sflag:$0x1] =	stream.indirect_vreg.gather @!p0 [hbm4b:s1+s9], $0x80, v6, vm1, $0xb8;
	[tilespmem:$0x17400] =	vst v63  }
0x11d: {  	v6 =	vld @!p0 [tilespmem:s4+$0xFFFFFE00];
	_ =	sdelay $0x4  }
0x11e: {  	v7 =	vshll.u32 @!p0 v6, $0x1  }
0x11f: {  	v6 =	vand.u32 @!p0 $0x7, v6;
	v7 =	vand.u32 @!p0 $0xFFFFFFF0, v7  }
0x120: {  	v6 =	vor.u32 @!p0 v6, v7  }
0x121: {  	v7 =	vperm.xlane @!p0 v6, v3;
	_ =	sdelay $0x1  }
0x122: {  	v6 =	vperm.xlane @!p0 v6, v5;
	v7 =	vadd.s32 @!p0 v4, v7;
	_ =	sdelay $0x1  }
0x123: {  	v6 =	vadd.s32 @!p0 v4, v6;
	_ =	sdelay $0x1  }
0x124: {  	s20 =	simm.s32 @!p0 $0x6400  }
0x125: {  	[tilespmem:s20], [sflag:$0x1] =	stream.indirect_vreg.gather @!p0 [hbm4b:s1+s9], $0x80, v7, vm1, $0xb8;
	[tilespmem:$0x17400] =	vst v63  }
0x126: {  	s20 =	simm.s32 @!p0 $0x6C00  }
0x127: {  	[tilespmem:s20], [sflag:$0x1] =	stream.indirect_vreg.gather @!p0 [hbm4b:s1+s9], $0x80, v6, vm1, $0xb8;
	[tilespmem:$0x17400] =	vst v63  }
0x128: {  	_ =	swait.ge [sflag:s0], $0x4000  }
0x129: {  	s20 =	sadd.s32 s5, s6;
	[sflag:s0] =	ssyncset.done $0x0  }
0x12a: {  	s10 =	sadd.s32 $0x800, s20;
	[sflag:s0] =	ssyncadd.s32 $0xFFFFC000  }
0x12b: {  	[hbm4b:s10+s3] =	stream.linear.scatter [tilespmem:s18], [sflag:$0x7], $0x4000, $0x38;
	[tilespmem:$0x17400] =	vst v63  }
0x12c: {  	_ =	swait.ge [sflag:s11], $0x4000  }
0x12d: {  	[sflag:s11] =	ssyncset.done $0x0  }
0x12e: {  	[sflag:s11] =	ssyncadd.s32 $0xFFFFC000  }
0x12f: {  	v6 =	vld @!p0 [tilespmem:s4+$0xFFFFFE50];
	_ =	sdelay $0x4  }
0x130: {  	v7 =	vshll.u32 @!p0 v6, $0x1  }
0x131: {  	v6 =	vand.u32 @!p0 $0x7, v6;
	v7 =	vand.u32 @!p0 $0xFFFFFFF0, v7  }
0x132: {  	v6 =	vor.u32 @!p0 v6, v7  }
0x133: {  	v7 =	vperm.xlane @!p0 v6, v3;
	_ =	sdelay $0x1  }
0x134: {  	v6 =	vperm.xlane @!p0 v6, v5;
	v7 =	vadd.s32 @!p0 v4, v7;
	_ =	sdelay $0x1  }
0x135: {  	v6 =	vadd.s32 @!p0 v4, v6;
	_ =	sdelay $0x1  }
0x136: {  	s10 =	simm.s32 @!p0 $0x7400  }
0x137: {  	[tilespmem:s10], [sflag:$0x2] =	stream.indirect_vreg.gather @!p0 [hbm4b:s1+s9], $0x80, v7, vm1, $0xb8;
	[tilespmem:$0x17400] =	vst v63  }
0x138: {  	s10 =	simm.s32 @!p0 $0x7C00  }
0x139: {  	[tilespmem:s10], [sflag:$0x2] =	stream.indirect_vreg.gather @!p0 [hbm4b:s1+s9], $0x80, v6, vm1, $0xb8;
	[tilespmem:$0x17400] =	vst v63  }
0x13a: {  	v6 =	vld @!p0 [tilespmem:s4+$0xFFFFFE60];
	_ =	sdelay $0x4  }
0x13b: {  	v7 =	vshll.u32 @!p0 v6, $0x1  }
0x13c: {  	v6 =	vand.u32 @!p0 $0x7, v6;
	v7 =	vand.u32 @!p0 $0xFFFFFFF0, v7  }
0x13d: {  	v6 =	vor.u32 @!p0 v6, v7  }
0x13e: {  	v7 =	vperm.xlane @!p0 v6, v3;
	_ =	sdelay $0x1  }
0x13f: {  	v6 =	vperm.xlane @!p0 v6, v5;
	v7 =	vadd.s32 @!p0 v4, v7;
	_ =	sdelay $0x1  }
0x140: {  	v6 =	vadd.s32 @!p0 v4, v6;
	_ =	sdelay $0x1  }
0x141: {  	s10 =	simm.s32 @!p0 $0x8400  }
0x142: {  	[tilespmem:s10], [sflag:$0x2] =	stream.indirect_vreg.gather @!p0 [hbm4b:s1+s9], $0x80, v7, vm1, $0xb8;
	[tilespmem:$0x17400] =	vst v63  }
0x143: {  	s10 =	simm.s32 @!p0 $0x8C00  }
0x144: {  	[tilespmem:s10], [sflag:$0x2] =	stream.indirect_vreg.gather @!p0 [hbm4b:s1+s9], $0x80, v6, vm1, $0xb8;
	[tilespmem:$0x17400] =	vst v63  }
0x145: {  	v6 =	vld @!p0 [tilespmem:s4+$0xFFFFFE70];
	_ =	sdelay $0x4  }
0x146: {  	v7 =	vshll.u32 @!p0 v6, $0x1  }
0x147: {  	v6 =	vand.u32 @!p0 $0x7, v6;
	v7 =	vand.u32 @!p0 $0xFFFFFFF0, v7  }
0x148: {  	v6 =	vor.u32 @!p0 v6, v7  }
0x149: {  	v7 =	vperm.xlane @!p0 v6, v3;
	_ =	sdelay $0x1  }
0x14a: {  	v6 =	vperm.xlane @!p0 v6, v5;
	v7 =	vadd.s32 @!p0 v4, v7;
	_ =	sdelay $0x1  }
0x14b: {  	v6 =	vadd.s32 @!p0 v4, v6;
	_ =	sdelay $0x1  }
0x14c: {  	s10 =	simm.s32 @!p0 $0x9400  }
0x14d: {  	[tilespmem:s10], [sflag:$0x2] =	stream.indirect_vreg.gather @!p0 [hbm4b:s1+s9], $0x80, v7, vm1, $0xb8;
	[tilespmem:$0x17400] =	vst v63  }
0x14e: {  	s10 =	simm.s32 @!p0 $0x9C00  }
0x14f: {  	[tilespmem:s10], [sflag:$0x2] =	stream.indirect_vreg.gather @!p0 [hbm4b:s1+s9], $0x80, v6, vm1, $0xb8;
	[tilespmem:$0x17400] =	vst v63  }
0x150: {  	v6 =	vld @!p0 [tilespmem:s4+$0xFFFFFE80];
	_ =	sdelay $0x4  }
0x151: {  	v7 =	vshll.u32 @!p0 v6, $0x1  }
0x152: {  	v6 =	vand.u32 @!p0 $0x7, v6;
	v7 =	vand.u32 @!p0 $0xFFFFFFF0, v7  }
0x153: {  	v6 =	vor.u32 @!p0 v6, v7  }
0x154: {  	v7 =	vperm.xlane @!p0 v6, v3;
	_ =	sdelay $0x1  }
0x155: {  	v6 =	vperm.xlane @!p0 v6, v5;
	v7 =	vadd.s32 @!p0 v4, v7;
	_ =	sdelay $0x1  }
0x156: {  	v6 =	vadd.s32 @!p0 v4, v6;
	_ =	sdelay $0x1  }
0x157: {  	s10 =	simm.s32 @!p0 $0xA400  }
0x158: {  	[tilespmem:s10], [sflag:$0x2] =	stream.indirect_vreg.gather @!p0 [hbm4b:s1+s9], $0x80, v7, vm1, $0xb8;
	[tilespmem:$0x17400] =	vst v63  }
0x159: {  	s10 =	simm.s32 @!p0 $0xAC00  }
0x15a: {  	[tilespmem:s10], [sflag:$0x2] =	stream.indirect_vreg.gather @!p0 [hbm4b:s1+s9], $0x80, v6, vm1, $0xb8;
	[tilespmem:$0x17400] =	vst v63  }
0x15b: {  	_ =	swait.ge [sflag:s13], $0x4000  }
0x15c: {  	[sflag:s13] =	ssyncset.done $0x0  }
0x15d: {  	s10 =	sadd.s32 $0x1000, s20;
	[sflag:s13] =	ssyncadd.s32 $0xFFFFC000  }
0x15e: {  	[hbm4b:s10+s3] =	stream.linear.scatter [tilespmem:s26], [sflag:$0x8], $0x4000, $0x38;
	[tilespmem:$0x17400] =	vst v63  }
0x15f: {  	_ =	swait.ge [sflag:s14], $0x4000  }
0x160: {  	[sflag:s14] =	ssyncset.done $0x0  }
0x161: {  	[sflag:s14] =	ssyncadd.s32 $0xFFFFC000  }
0x162: {  	v6 =	vld @!p0 [tilespmem:s4+$0xFFFFFED0];
	_ =	sdelay $0x4  }
0x163: {  	v7 =	vshll.u32 @!p0 v6, $0x1  }
0x164: {  	v6 =	vand.u32 @!p0 $0x7, v6;
	v7 =	vand.u32 @!p0 $0xFFFFFFF0, v7  }
0x165: {  	v6 =	vor.u32 @!p0 v6, v7  }
0x166: {  	v7 =	vperm.xlane @!p0 v6, v3;
	_ =	sdelay $0x1  }
0x167: {  	v6 =	vperm.xlane @!p0 v6, v5;
	v7 =	vadd.s32 @!p0 v4, v7;
	_ =	sdelay $0x1  }
0x168: {  	v6 =	vadd.s32 @!p0 v4, v6;
	_ =	sdelay $0x1  }
0x169: {  	s10 =	simm.s32 @!p0 $0xB400  }
0x16a: {  	[tilespmem:s10], [sflag:$0x3] =	stream.indirect_vreg.gather @!p0 [hbm4b:s1+s9], $0x80, v7, vm1, $0xb8;
	[tilespmem:$0x17400] =	vst v63  }
0x16b: {  	s10 =	simm.s32 @!p0 $0xBC00  }
0x16c: {  	[tilespmem:s10], [sflag:$0x3] =	stream.indirect_vreg.gather @!p0 [hbm4b:s1+s9], $0x80, v6, vm1, $0xb8;
	[tilespmem:$0x17400] =	vst v63  }
0x16d: {  	v6 =	vld @!p0 [tilespmem:s4+$0xFFFFFEE0];
	_ =	sdelay $0x4  }
0x16e: {  	v7 =	vshll.u32 @!p0 v6, $0x1  }
0x16f: {  	v6 =	vand.u32 @!p0 $0x7, v6;
	v7 =	vand.u32 @!p0 $0xFFFFFFF0, v7  }
0x170: {  	v6 =	vor.u32 @!p0 v6, v7  }
0x171: {  	v7 =	vperm.xlane @!p0 v6, v3;
	_ =	sdelay $0x1  }
0x172: {  	v6 =	vperm.xlane @!p0 v6, v5;
	v7 =	vadd.s32 @!p0 v4, v7;
	_ =	sdelay $0x1  }
0x173: {  	v6 =	vadd.s32 @!p0 v4, v6;
	_ =	sdelay $0x1  }
0x174: {  	s10 =	simm.s32 @!p0 $0xC400  }
0x175: {  	[tilespmem:s10], [sflag:$0x3] =	stream.indirect_vreg.gather @!p0 [hbm4b:s1+s9], $0x80, v7, vm1, $0xb8;
	[tilespmem:$0x17400] =	vst v63  }
0x176: {  	s10 =	simm.s32 @!p0 $0xCC00  }
0x177: {  	[tilespmem:s10], [sflag:$0x3] =	stream.indirect_vreg.gather @!p0 [hbm4b:s1+s9], $0x80, v6, vm1, $0xb8;
	[tilespmem:$0x17400] =	vst v63  }
0x178: {  	v6 =	vld @!p0 [tilespmem:s4+$0xFFFFFEF0];
	_ =	sdelay $0x4  }
0x179: {  	v7 =	vshll.u32 @!p0 v6, $0x1  }
0x17a: {  	v6 =	vand.u32 @!p0 $0x7, v6;
	v7 =	vand.u32 @!p0 $0xFFFFFFF0, v7  }
0x17b: {  	v6 =	vor.u32 @!p0 v6, v7  }
0x17c: {  	v7 =	vperm.xlane @!p0 v6, v3;
	_ =	sdelay $0x1  }
0x17d: {  	v6 =	vperm.xlane @!p0 v6, v5;
	v7 =	vadd.s32 @!p0 v4, v7;
	_ =	sdelay $0x1  }
0x17e: {  	v6 =	vadd.s32 @!p0 v4, v6;
	_ =	sdelay $0x1  }
0x17f: {  	s10 =	simm.s32 @!p0 $0xD400  }
0x180: {  	[tilespmem:s10], [sflag:$0x3] =	stream.indirect_vreg.gather @!p0 [hbm4b:s1+s9], $0x80, v7, vm1, $0xb8;
	[tilespmem:$0x17400] =	vst v63  }
0x181: {  	s10 =	simm.s32 @!p0 $0xDC00  }
0x182: {  	[tilespmem:s10], [sflag:$0x3] =	stream.indirect_vreg.gather @!p0 [hbm4b:s1+s9], $0x80, v6, vm1, $0xb8;
	[tilespmem:$0x17400] =	vst v63  }
0x183: {  	v6 =	vld @!p0 [tilespmem:s4+$0xFFFFFF00];
	_ =	sdelay $0x4  }
0x184: {  	v7 =	vshll.u32 @!p0 v6, $0x1  }
0x185: {  	v6 =	vand.u32 @!p0 $0x7, v6;
	v7 =	vand.u32 @!p0 $0xFFFFFFF0, v7  }
0x186: {  	v6 =	vor.u32 @!p0 v6, v7  }
0x187: {  	v7 =	vperm.xlane @!p0 v6, v3;
	_ =	sdelay $0x1  }
0x188: {  	v6 =	vperm.xlane @!p0 v6, v5;
	v7 =	vadd.s32 @!p0 v4, v7;
	_ =	sdelay $0x1  }
0x189: {  	v6 =	vadd.s32 @!p0 v4, v6;
	_ =	sdelay $0x1  }
0x18a: {  	s10 =	simm.s32 @!p0 $0xE400  }
0x18b: {  	[tilespmem:s10], [sflag:$0x3] =	stream.indirect_vreg.gather @!p0 [hbm4b:s1+s9], $0x80, v7, vm1, $0xb8;
	[tilespmem:$0x17400] =	vst v63  }
0x18c: {  	s10 =	simm.s32 @!p0 $0xEC00  }
0x18d: {  	[tilespmem:s10], [sflag:$0x3] =	stream.indirect_vreg.gather @!p0 [hbm4b:s1+s9], $0x80, v6, vm1, $0xb8;
	[tilespmem:$0x17400] =	vst v63  }
0x18e: {  	_ =	swait.ge [sflag:s15], $0x4000  }
0x18f: {  	[sflag:s15] =	ssyncset.done $0x0  }
0x190: {  	s20 =	sadd.s32 $0x1800, s20;
	[sflag:s15] =	ssyncadd.s32 $0xFFFFC000  }
0x191: {  	[hbm4b:s20+s3] =	stream.linear.scatter [tilespmem:s12], [sflag:$0x9], $0x4000, $0x38;
	[tilespmem:$0x17400] =	vst v63  }
0x192: {  	_ =	swait.ge [sflag:s16], $0x4000  }
0x193: {  	[sflag:s16] =	ssyncset.done $0x0  }
0x194: {  	[sflag:s16] =	ssyncadd.s32 $0xFFFFC000  }
0x195: {  	v6 =	vld @!p0 [tilespmem:s4+$0xFFFFFF50];
	_ =	sdelay $0x4  }
0x196: {  	v7 =	vshll.u32 @!p0 v6, $0x1  }
0x197: {  	v6 =	vand.u32 @!p0 $0x7, v6;
	v7 =	vand.u32 @!p0 $0xFFFFFFF0, v7  }
0x198: {  	v6 =	vor.u32 @!p0 v6, v7  }
0x199: {  	v7 =	vperm.xlane @!p0 v6, v3;
	_ =	sdelay $0x1  }
0x19a: {  	v6 =	vperm.xlane @!p0 v6, v5;
	v7 =	vadd.s32 @!p0 v4, v7;
	_ =	sdelay $0x1  }
0x19b: {  	v6 =	vadd.s32 @!p0 v4, v6;
	_ =	sdelay $0x1  }
0x19c: {  	s10 =	simm.s32 @!p0 $0xF400  }
0x19d: {  	[tilespmem:s10], [sflag:$0x4] =	stream.indirect_vreg.gather @!p0 [hbm4b:s1+s9], $0x80, v7, vm1, $0xb8;
	[tilespmem:$0x17400] =	vst v63  }
0x19e: {  	s10 =	simm.s32 @!p0 $0xFC00  }
0x19f: {  	[tilespmem:s10], [sflag:$0x4] =	stream.indirect_vreg.gather @!p0 [hbm4b:s1+s9], $0x80, v6, vm1, $0xb8;
	[tilespmem:$0x17400] =	vst v63  }
0x1a0: {  	v6 =	vld @!p0 [tilespmem:s4+$0xFFFFFF60];
	_ =	sdelay $0x4  }
0x1a1: {  	v7 =	vshll.u32 @!p0 v6, $0x1  }
0x1a2: {  	v6 =	vand.u32 @!p0 $0x7, v6;
	v7 =	vand.u32 @!p0 $0xFFFFFFF0, v7  }
0x1a3: {  	v6 =	vor.u32 @!p0 v6, v7  }
0x1a4: {  	v7 =	vperm.xlane @!p0 v6, v3;
	_ =	sdelay $0x1  }
0x1a5: {  	v6 =	vperm.xlane @!p0 v6, v5;
	v7 =	vadd.s32 @!p0 v4, v7;
	_ =	sdelay $0x1  }
0x1a6: {  	v6 =	vadd.s32 @!p0 v4, v6;
	_ =	sdelay $0x1  }
0x1a7: {  	s10 =	simm.s32 @!p0 $0x10400  }
0x1a8: {  	[tilespmem:s10], [sflag:$0x4] =	stream.indirect_vreg.gather @!p0 [hbm4b:s1+s9], $0x80, v7, vm1, $0xb8;
	[tilespmem:$0x17400] =	vst v63  }
0x1a9: {  	s10 =	simm.s32 @!p0 $0x10C00  }
0x1aa: {  	[tilespmem:s10], [sflag:$0x4] =	stream.indirect_vreg.gather @!p0 [hbm4b:s1+s9], $0x80, v6, vm1, $0xb8;
	[tilespmem:$0x17400] =	vst v63  }
0x1ab: {  	v6 =	vld @!p0 [tilespmem:s4+$0xFFFFFF70];
	_ =	sdelay $0x4  }
0x1ac: {  	v7 =	vshll.u32 @!p0 v6, $0x1  }
0x1ad: {  	v6 =	vand.u32 @!p0 $0x7, v6;
	v7 =	vand.u32 @!p0 $0xFFFFFFF0, v7  }
0x1ae: {  	v6 =	vor.u32 @!p0 v6, v7  }
0x1af: {  	v7 =	vperm.xlane @!p0 v6, v3;
	_ =	sdelay $0x1  }
0x1b0: {  	v6 =	vperm.xlane @!p0 v6, v5;
	v7 =	vadd.s32 @!p0 v4, v7;
	_ =	sdelay $0x1  }
0x1b1: {  	v6 =	vadd.s32 @!p0 v4, v6;
	_ =	sdelay $0x1  }
0x1b2: {  	s10 =	simm.s32 @!p0 $0x11400  }
0x1b3: {  	[tilespmem:s10], [sflag:$0x4] =	stream.indirect_vreg.gather @!p0 [hbm4b:s1+s9], $0x80, v7, vm1, $0xb8;
	[tilespmem:$0x17400] =	vst v63  }
0x1b4: {  	s10 =	simm.s32 @!p0 $0x11C00  }
0x1b5: {  	[tilespmem:s10], [sflag:$0x4] =	stream.indirect_vreg.gather @!p0 [hbm4b:s1+s9], $0x80, v6, vm1, $0xb8;
	[tilespmem:$0x17400] =	vst v63  }
0x1b6: {  	v6 =	vld @!p0 [tilespmem:s4+$0xFFFFFF80];
	_ =	sdelay $0x4  }
0x1b7: {  	v7 =	vshll.u32 @!p0 v6, $0x1  }
0x1b8: {  	v6 =	vand.u32 @!p0 $0x7, v6;
	v7 =	vand.u32 @!p0 $0xFFFFFFF0, v7  }
0x1b9: {  	v6 =	vor.u32 @!p0 v6, v7  }
0x1ba: {  	v3 =	vperm.xlane @!p0 v6, v3;
	_ =	sdelay $0x1  }
0x1bb: {  	v5 =	vperm.xlane @!p0 v6, v5;
	v3 =	vadd.s32 @!p0 v4, v3;
	_ =	sdelay $0x1  }
0x1bc: {  	v4 =	vadd.s32 @!p0 v4, v5;
	_ =	sdelay $0x1  }
0x1bd: {  	s10 =	simm.s32 @!p0 $0x12400  }
0x1be: {  	[tilespmem:s10], [sflag:$0x4] =	stream.indirect_vreg.gather @!p0 [hbm4b:s1+s9], $0x80, v3, vm1, $0xb8;
	[tilespmem:$0x17400] =	vst v63  }
0x1bf: {  	s10 =	simm.s32 @!p0 $0x12C00  }
0x1c0: {  	[tilespmem:s10], [sflag:$0x4] =	stream.indirect_vreg.gather @!p0 [hbm4b:s1+s9], $0x80, v4, vm1, $0xb8;
	[tilespmem:$0x17400] =	vst v63  }
0x1c1: {  	_ =	swait.ge [sflag:s17], $0x4000  }
0x1c2: {  	[sflag:s17] =	ssyncset.done $0x0  }
.Ltmp2:
0x1c3: {  	s20 =	sadd.s32 s5, s8;
	[sflag:s17] =	ssyncadd.s32 $0xFFFFC000;
	(pc) =	sbr.rel @p0 .LBB2_4-.Ltmp2, $4  }
0x1c4: {  	[hbm4b:s20+s3] =	stream.linear.scatter [tilespmem:s21], [sflag:$0xA], $0x4000, $0x38;
	[tilespmem:$0x17400] =	vst v63  }
0x1c5: {  	_ =	swait.ge [sflag:s19], $0x4000  }
0x1c6: {  	[sflag:s19] =	ssyncset.done $0x0  }
0x1c7: {  	[sflag:s19] =	ssyncadd.s32 $0xFFFFC000  }
0x1c8: {  	v3 =	vld [tilespmem:s4+$0xFFFFFFD0];
	_ =	sdelay $0x4  }
0x1c9: {  	v4 =	vshll.u32 v3, $0x1  }
0x1ca: {  	v3 =	vand.u32 $0x7, v3;
	v4 =	vand.u32 $0xFFFFFFF0, v4  }
0x1cb: {  	v3 =	vor.u32 v3, v4  }
0x1cc: {  	v4 =	vperm.xlane v3, v0;
	_ =	sdelay $0x1  }
0x1cd: {  	v3 =	vperm.xlane v3, v2;
	v4 =	vadd.s32 v1, v4;
	_ =	sdelay $0x1  }
0x1ce: {  	v3 =	vadd.s32 v1, v3;
	_ =	sdelay $0x2  }
0x1cf: {  	[tilespmem:s21], [sflag:$0x5] =	stream.indirect_vreg.gather [hbm4b:s1+s3], $0x80, v4, vm0, $0xb8;
	[tilespmem:$0x17400] =	vst v63  }
0x1d0: {  	_ = 	snop  }
0x1d1: {  	[tilespmem:s22], [sflag:$0x5] =	stream.indirect_vreg.gather [hbm4b:s1+s3], $0x80, v3, vm0, $0xb8;
	[tilespmem:$0x17400] =	vst v63  }
0x1d2: {  	v3 =	vld [tilespmem:s4+$0xFFFFFFE0];
	_ =	sdelay $0x4  }
0x1d3: {  	v61 =	vshll.u32 v3, $0x1  }
0x1d4: {  	v3 =	vand.u32 $0x7, v3;
	v4 =	vand.u32 $0xFFFFFFF0, v61  }
0x1d5: {  	v3 =	vor.u32 v3, v4  }
0x1d6: {  	v4 =	vperm.xlane v3, v0;
	_ =	sdelay $0x1  }
0x1d7: {  	v3 =	vperm.xlane v3, v2;
	v4 =	vadd.s32 v1, v4;
	_ =	sdelay $0x1  }
0x1d8: {  	v3 =	vadd.s32 v1, v3;
	_ =	sdelay $0x2  }
0x1d9: {  	[tilespmem:s23], [sflag:$0x5] =	stream.indirect_vreg.gather [hbm4b:s1+s3], $0x80, v4, vm0, $0xb8;
	[tilespmem:$0x17400] =	vst v63  }
0x1da: {  	_ = 	snop  }
0x1db: {  	[tilespmem:s24], [sflag:$0x5] =	stream.indirect_vreg.gather [hbm4b:s1+s3], $0x80, v3, vm0, $0xb8;
	[tilespmem:$0x17400] =	vst v63  }
0x1dc: {  	v3 =	vld [tilespmem:s4+$0xFFFFFFF0];
	_ =	sdelay $0x4  }
0x1dd: {  	v62 =	vshll.u32 v3, $0x1  }
0x1de: {  	v3 =	vand.u32 $0x7, v3;
	v4 =	vand.u32 $0xFFFFFFF0, v62  }
0x1df: {  	v3 =	vor.u32 v3, v4  }
0x1e0: {  	v4 =	vperm.xlane v3, v0;
	_ =	sdelay $0x1  }
0x1e1: {  	v3 =	vperm.xlane v3, v2;
	v4 =	vadd.s32 v1, v4;
	_ =	sdelay $0x1  }
0x1e2: {  	v3 =	vadd.s32 v1, v3;
	_ =	sdelay $0x2  }
0x1e3: {  	[tilespmem:s25], [sflag:$0x5] =	stream.indirect_vreg.gather [hbm4b:s1+s3], $0x80, v4, vm0, $0xb8;
	[tilespmem:$0x17400] =	vst v63  }
0x1e4: {  	_ = 	snop  }
0x1e5: {  	[tilespmem:s28], [sflag:$0x5] =	stream.indirect_vreg.gather [hbm4b:s1+s3], $0x80, v3, vm0, $0xb8;
	[tilespmem:$0x17400] =	vst v63  }
0x1e6: {  	v3 =	vld [tilespmem:s4+$0x0];
	_ =	sdelay $0x4  }
0x1e7: {  	v63 =	vshll.u32 v3, $0x1  }
0x1e8: {  	v3 =	vand.u32 $0x7, v3;
	v4 =	vand.u32 $0xFFFFFFF0, v63  }
0x1e9: {  	v3 =	vor.u32 v3, v4  }
0x1ea: {  	v4 =	vperm.xlane v3, v0;
	_ =	sdelay $0x1  }
0x1eb: {  	v3 =	vperm.xlane v3, v2;
	v4 =	vadd.s32 v1, v4;
	_ =	sdelay $0x1  }
0x1ec: {  	v3 =	vadd.s32 v1, v3  }
.Ltmp3:
0x1ed: {  	_ = 	snop;
	(pc) =	sbr.rel .LBB2_2-.Ltmp3, $4  }
0x1ee: {  	_ = 	snop  }
0x1ef: {  	[tilespmem:s29], [sflag:$0x5] =	stream.indirect_vreg.gather [hbm4b:s1+s3], $0x80, v4, vm0, $0xb8;
	[tilespmem:$0x17400] =	vst v63  }
0x1f0: {  	s5 =	sadd.s32 $0x2800, s5;
	s4 =	sadd.s32 $0x280, s4  }
0x1f1: {  	[tilespmem:s30], [sflag:$0x5] =	stream.indirect_vreg.gather [hbm4b:s1+s3], $0x80, v3, vm0, $0xb8;
	[tilespmem:$0x17400] =	vst v63  }
.LBB2_5:
0x1f2: {  	_ =	sfence.sel $0x180000  }
0x1f3: {  	[bflag:$0x0] =	sbarrier.arrive $0xFFFF  }
0x1f4: {  	_ =	strace $0x90000047  }
0x1f5: {  	s0 =	stileid.u32;
	[bflag:$0x2] =	sbarrier.arrive $0xFFFF  }
0x1f6: {  	p0 =	sne.s32 s0, $0x0;
	s0 =	rddreg [dreg:$0x3]  }
0x1f7: {  	s0 =	sadd.s32 @!p0 $0x100000, s0  }
0x1f8: {  	[sflag:s0] =	ssyncadd.tile.s32 @!p0 $0x1;
	_ =	shalt  }
.Lfunc_end2:
_tile_overlayer_lowered:
.L_overlay_start_2:
0x1f9: {  	(tag) =	ssettag $0x2  }
0x1fa: {  	s0 =	rddreg [dreg:$0x0];
	s2 =	stileid.u32  }
0x1fb: {  	s1 =	rddreg [dreg:$0x1];
	p0 =	sne.s32 s2, $0x0  }
0x1fc: {  	s3 =	rddreg [dreg:$0x2];
	[bflag:$0x3] =	sbarrier.arrive $0xFFFF;
	s2 =	simm.s32 @!p0 $0x1C0B  }
0x1fd: {  	[timem:s3], [sflag:s2] =	dma.local @!p0 [hbm:s0], s1  }
0x1fe: {  	s0 =	simm.s32 @!p0 $0xB  }
0x1ff: {  	_ =	swait.ge @!p0 [sflag:s0], s1  }
0x200: {  	s1 =	ssub.s32 @!p0 $0x0, s1;
	[sflag:s0] =	ssyncset.done @!p0 $0x0  }
0x201: {  	[sflag:s0] =	ssyncadd.s32 @!p0 s1  }
0x202: {  	[bflag:$0x3] =	sbarrier.arrive $0xFFFF  }
0x203: {  	_ =	shalt  }

</sc_bundles>
